<compile_context>
chip_gen: v7x
topology: tpu7x:2x2x1
jax: 0.10.2.dev20260603
libtpu: 0.0.44.dev20260713+nightly
codegen_flags: <defaults>
</compile_context>

<pallas_src>
import jax
import jax.numpy as jnp
from jax.experimental import pallas as pl

B, C, H, W = 8, 96, 224, 224
HB = 56


def _body(x_ref, o_ref):
    v = x_ref[0]
    m = jnp.max(v, axis=0, keepdims=True)
    e = jnp.exp(v - m)
    s = jnp.sum(e, axis=0, keepdims=True)
    base = m + jnp.log(s)
    for i in range(HB):
        o_ref[0, :, i, :] = (v[:, i, :] - base[0, i, :]).T


def kernel(x):
    out = pl.pallas_call(
        _body,
        grid=(B, H // HB),
        in_specs=[pl.BlockSpec((1, C, HB, W), lambda b, h: (b, 0, h, 0))],
        out_specs=pl.BlockSpec((1, W, HB, C), lambda b, h: (b, 0, h, 0)),
        out_shape=jax.ShapeDtypeStruct((B, W, H, C), x.dtype),
    )(x)
    return out.reshape(-1, C)

# --- scband reference (transcript-rebuilt; emitter-appended) ---
"""Pipeline reference for scband-categorical-paint-53626961658373 (READ-ONLY COPY).

The authoritative reference and input builder live on the scoring server;
editing this copy changes nothing except your own understanding.
"""

import jax, jax.numpy as jnp
import numpy as np

def setup_inputs(seed: int = 0) -> dict:
    key = jax.random.key(seed)
    x = jax.random.normal(key, (8, 96, 224, 224), dtype=jnp.float32)
    return {"x": x}

def reference(x):
    # CategoricalPaint.forward: each channel is a categorical logit per pixel.
    # x: [B, C, H, W] -> transpose(1, -1) -> [B, W, H, C] -> reshape(-1, C)
    n_chan = x.shape[1]
    xt = jnp.swapaxes(x, 1, -1)
    flat = xt.reshape(-1, n_chan)
    # torch.distributions.Categorical(logits=flat) internally normalizes logits:
    # logits - logsumexp(logits, -1, keepdims=True) == log_softmax
    normalized_logits = jax.nn.log_softmax(flat, axis=-1)
    return normalized_logits

if __name__ == "__main__":
    import jax
    _d = setup_inputs()
    print(jax.jit(kernel)(*tuple(_d.values())))

</pallas_src>

<mosaic_0001>
module attributes {stable_mosaic.version = 14 : i64} {
  func.func @_body(%arg0: i32, %arg1: i32, %arg2: memref<1x96x56x224xf32, #tpu.memory_space<vmem>>, %arg3: memref<1x224x56x96xf32, #tpu.memory_space<vmem>>) attributes {dimension_semantics = [#tpu.dimension_semantics<arbitrary>, #tpu.dimension_semantics<arbitrary>], iteration_bounds = array<i64: 8, 4>, scalar_prefetch = 0 : i64, scratch_operands = 0 : i64, tpu.core_type = #tpu.core_type<tc>, window_params = [{transform_indices = @transform_0, window_bounds = array<i64: 1, 96, 56, 224>}, {transform_indices = @transform_1, window_bounds = array<i64: 1, 224, 56, 96>}]} {
    %get3A = arith.constant 0 : index
    %get3A_0 = arith.constant 0 : index
    %get3A_1 = arith.constant 0 : index
    %get3A_2 = arith.constant 0 : index
    %get3A_3 = vector.load %arg2[%get3A, %get3A_0, %get3A_1, %get3A_2] : memref<1x96x56x224xf32, #tpu.memory_space<vmem>>, vector<1x96x56x224xf32>
    %get3A_4 = vector.shape_cast %get3A_3 : vector<1x96x56x224xf32> to vector<96x56x224xf32>
    %reduce_max3A = arith.constant dense<0xFF800000> : vector<56x224xf32>
    %reduce_max3A_5 = vector.multi_reduction <maximumf>, %get3A_4, %reduce_max3A [0] : vector<96x56x224xf32> to vector<56x224xf32>
    %broadcast_in_dim3A = vector.shape_cast %reduce_max3A_5 : vector<56x224xf32> to vector<1x56x224xf32>
    %sub3A = vector.broadcast %broadcast_in_dim3A : vector<1x56x224xf32> to vector<96x56x224xf32>
    %sub3A_6 = arith.subf %get3A_4, %sub3A : vector<96x56x224xf32>
    %exp3A = math.exp %sub3A_6 : vector<96x56x224xf32>
    %reduce_sum3A = arith.constant dense<0.000000e+00> : vector<56x224xf32>
    %reduce_sum3A_7 = vector.multi_reduction <add>, %exp3A, %reduce_sum3A [0] : vector<96x56x224xf32> to vector<56x224xf32>
    %broadcast_in_dim3A_8 = vector.shape_cast %reduce_sum3A_7 : vector<56x224xf32> to vector<1x56x224xf32>
    %log3A = math.log %broadcast_in_dim3A_8 : vector<1x56x224xf32>
    %add3A = arith.addf %broadcast_in_dim3A, %log3A : vector<1x56x224xf32>
    %slice3A = vector.extract_strided_slice %get3A_4 {offsets = [0, 0, 0], sizes = [96, 1, 224], strides = [1, 1, 1]} : vector<96x56x224xf32> to vector<96x1x224xf32>
    %squeeze3A = vector.shape_cast %slice3A : vector<96x1x224xf32> to vector<96x224xf32>
    %slice3A_9 = vector.extract_strided_slice %add3A {offsets = [0, 0, 0], sizes = [1, 1, 224], strides = [1, 1, 1]} : vector<1x56x224xf32> to vector<1x1x224xf32>
    %squeeze3A_10 = vector.shape_cast %slice3A_9 : vector<1x1x224xf32> to vector<224xf32>
    %broadcast_in_dim3A_11 = vector.shape_cast %squeeze3A_10 : vector<224xf32> to vector<1x224xf32>
    %sub3A_12 = vector.broadcast %broadcast_in_dim3A_11 : vector<1x224xf32> to vector<96x224xf32>
    %sub3A_13 = arith.subf %squeeze3A, %sub3A_12 : vector<96x224xf32>
    %transpose3A = tpu.transpose %sub3A_13, [1, 0] : vector<96x224xf32> -> vector<224x96xf32>
    %swap3A = arith.constant 0 : index
    %swap3A_14 = arith.constant 0 : index
    %swap3A_15 = arith.constant 0 : index
    %swap3A_16 = arith.constant 0 : index
    %swap3A_17 = vector.load %arg3[%swap3A, %swap3A_14, %swap3A_15, %swap3A_16] : memref<1x224x56x96xf32, #tpu.memory_space<vmem>>, vector<1x224x1x96xf32>
    %swap3A_18 = vector.shape_cast %swap3A_17 : vector<1x224x1x96xf32> to vector<224x96xf32>
    %swap3A_19 = vector.shape_cast %transpose3A : vector<224x96xf32> to vector<1x224x1x96xf32>
    tpu.vector_store %arg3[%swap3A, %swap3A_14, %swap3A_15, %swap3A_16], %swap3A_19 {strides = array<i32>} : memref<1x224x56x96xf32, #tpu.memory_space<vmem>>, vector<1x224x1x96xf32>,
    %slice3A_20 = vector.extract_strided_slice %get3A_4 {offsets = [0, 1, 0], sizes = [96, 1, 224], strides = [1, 1, 1]} : vector<96x56x224xf32> to vector<96x1x224xf32>
    %squeeze3A_21 = vector.shape_cast %slice3A_20 : vector<96x1x224xf32> to vector<96x224xf32>
    %slice3A_22 = vector.extract_strided_slice %add3A {offsets = [0, 1, 0], sizes = [1, 1, 224], strides = [1, 1, 1]} : vector<1x56x224xf32> to vector<1x1x224xf32>
    %squeeze3A_23 = vector.shape_cast %slice3A_22 : vector<1x1x224xf32> to vector<224xf32>
    %broadcast_in_dim3A_24 = vector.shape_cast %squeeze3A_23 : vector<224xf32> to vector<1x224xf32>
    %sub3A_25 = vector.broadcast %broadcast_in_dim3A_24 : vector<1x224xf32> to vector<96x224xf32>
    %sub3A_26 = arith.subf %squeeze3A_21, %sub3A_25 : vector<96x224xf32>
    %transpose3A_27 = tpu.transpose %sub3A_26, [1, 0] : vector<96x224xf32> -> vector<224x96xf32>
    %swap3A_28 = arith.constant 0 : index
    %swap3A_29 = arith.constant 0 : index
    %swap3A_30 = arith.constant 1 : index
    %swap3A_31 = arith.constant 0 : index
    %swap3A_32 = vector.load %arg3[%swap3A_28, %swap3A_29, %swap3A_30, %swap3A_31] : memref<1x224x56x96xf32, #tpu.memory_space<vmem>>, vector<1x224x1x96xf32>
    %swap3A_33 = vector.shape_cast %swap3A_32 : vector<1x224x1x96xf32> to vector<224x96xf32>
    %swap3A_34 = vector.shape_cast %transpose3A_27 : vector<224x96xf32> to vector<1x224x1x96xf32>
    tpu.vector_store %arg3[%swap3A_28, %swap3A_29, %swap3A_30, %swap3A_31], %swap3A_34 {strides = array<i32>} : memref<1x224x56x96xf32, #tpu.memory_space<vmem>>, vector<1x224x1x96xf32>,
    %slice3A_35 = vector.extract_strided_slice %get3A_4 {offsets = [0, 2, 0], sizes = [96, 1, 224], strides = [1, 1, 1]} : vector<96x56x224xf32> to vector<96x1x224xf32>
    %squeeze3A_36 = vector.shape_cast %slice3A_35 : vector<96x1x224xf32> to vector<96x224xf32>
    %slice3A_37 = vector.extract_strided_slice %add3A {offsets = [0, 2, 0], sizes = [1, 1, 224], strides = [1, 1, 1]} : vector<1x56x224xf32> to vector<1x1x224xf32>
    %squeeze3A_38 = vector.shape_cast %slice3A_37 : vector<1x1x224xf32> to vector<224xf32>
    %broadcast_in_dim3A_39 = vector.shape_cast %squeeze3A_38 : vector<224xf32> to vector<1x224xf32>
    %sub3A_40 = vector.broadcast %broadcast_in_dim3A_39 : vector<1x224xf32> to vector<96x224xf32>
    %sub3A_41 = arith.subf %squeeze3A_36, %sub3A_40 : vector<96x224xf32>
    %transpose3A_42 = tpu.transpose %sub3A_41, [1, 0] : vector<96x224xf32> -> vector<224x96xf32>
    %swap3A_43 = arith.constant 0 : index
    %swap3A_44 = arith.constant 0 : index
    %swap3A_45 = arith.constant 2 : index
    %swap3A_46 = arith.constant 0 : index
    %swap3A_47 = vector.load %arg3[%swap3A_43, %swap3A_44, %swap3A_45, %swap3A_46] : memref<1x224x56x96xf32, #tpu.memory_space<vmem>>, vector<1x224x1x96xf32>
    %swap3A_48 = vector.shape_cast %swap3A_47 : vector<1x224x1x96xf32> to vector<224x96xf32>
    %swap3A_49 = vector.shape_cast %transpose3A_42 : vector<224x96xf32> to vector<1x224x1x96xf32>
    tpu.vector_store %arg3[%swap3A_43, %swap3A_44, %swap3A_45, %swap3A_46], %swap3A_49 {strides = array<i32>} : memref<1x224x56x96xf32, #tpu.memory_space<vmem>>, vector<1x224x1x96xf32>,
    %slice3A_50 = vector.extract_strided_slice %get3A_4 {offsets = [0, 3, 0], sizes = [96, 1, 224], strides = [1, 1, 1]} : vector<96x56x224xf32> to vector<96x1x224xf32>
    %squeeze3A_51 = vector.shape_cast %slice3A_50 : vector<96x1x224xf32> to vector<96x224xf32>
    %slice3A_52 = vector.extract_strided_slice %add3A {offsets = [0, 3, 0], sizes = [1, 1, 224], strides = [1, 1, 1]} : vector<1x56x224xf32> to vector<1x1x224xf32>
    %squeeze3A_53 = vector.shape_cast %slice3A_52 : vector<1x1x224xf32> to vector<224xf32>
    %broadcast_in_dim3A_54 = vector.shape_cast %squeeze3A_53 : vector<224xf32> to vector<1x224xf32>
    %sub3A_55 = vector.broadcast %broadcast_in_dim3A_54 : vector<1x224xf32> to vector<96x224xf32>
    %sub3A_56 = arith.subf %squeeze3A_51, %sub3A_55 : vector<96x224xf32>
    %transpose3A_57 = tpu.transpose %sub3A_56, [1, 0] : vector<96x224xf32> -> vector<224x96xf32>
    %swap3A_58 = arith.constant 0 : index
    %swap3A_59 = arith.constant 0 : index
    %swap3A_60 = arith.constant 3 : index
    %swap3A_61 = arith.constant 0 : index
    %swap3A_62 = vector.load %arg3[%swap3A_58, %swap3A_59, %swap3A_60, %swap3A_61] : memref<1x224x56x96xf32, #tpu.memory_space<vmem>>, vector<1x224x1x96xf32>
    %swap3A_63 = vector.shape_cast %swap3A_62 : vector<1x224x1x96xf32> to vector<224x96xf32>
    %swap3A_64 = vector.shape_cast %transpose3A_57 : vector<224x96xf32> to vector<1x224x1x96xf32>
    tpu.vector_store %arg3[%swap3A_58, %swap3A_59, %swap3A_60, %swap3A_61], %swap3A_64 {strides = array<i32>} : memref<1x224x56x96xf32, #tpu.memory_space<vmem>>, vector<1x224x1x96xf32>,
    %slice3A_65 = vector.extract_strided_slice %get3A_4 {offsets = [0, 4, 0], sizes = [96, 1, 224], strides = [1, 1, 1]} : vector<96x56x224xf32> to vector<96x1x224xf32>
    %squeeze3A_66 = vector.shape_cast %slice3A_65 : vector<96x1x224xf32> to vector<96x224xf32>
    %slice3A_67 = vector.extract_strided_slice %add3A {offsets = [0, 4, 0], sizes = [1, 1, 224], strides = [1, 1, 1]} : vector<1x56x224xf32> to vector<1x1x224xf32>
    %squeeze3A_68 = vector.shape_cast %slice3A_67 : vector<1x1x224xf32> to vector<224xf32>
    %broadcast_in_dim3A_69 = vector.shape_cast %squeeze3A_68 : vector<224xf32> to vector<1x224xf32>
    %sub3A_70 = vector.broadcast %broadcast_in_dim3A_69 : vector<1x224xf32> to vector<96x224xf32>
    %sub3A_71 = arith.subf %squeeze3A_66, %sub3A_70 : vector<96x224xf32>
    %transpose3A_72 = tpu.transpose %sub3A_71, [1, 0] : vector<96x224xf32> -> vector<224x96xf32>
    %swap3A_73 = arith.constant 0 : index
    %swap3A_74 = arith.constant 0 : index
    %swap3A_75 = arith.constant 4 : index
    %swap3A_76 = arith.constant 0 : index
    %swap3A_77 = vector.load %arg3[%swap3A_73, %swap3A_74, %swap3A_75, %swap3A_76] : memref<1x224x56x96xf32, #tpu.memory_space<vmem>>, vector<1x224x1x96xf32>
    %swap3A_78 = vector.shape_cast %swap3A_77 : vector<1x224x1x96xf32> to vector<224x96xf32>
    %swap3A_79 = vector.shape_cast %transpose3A_72 : vector<224x96xf32> to vector<1x224x1x96xf32>
    tpu.vector_store %arg3[%swap3A_73, %swap3A_74, %swap3A_75, %swap3A_76], %swap3A_79 {strides = array<i32>} : memref<1x224x56x96xf32, #tpu.memory_space<vmem>>, vector<1x224x1x96xf32>,
    %slice3A_80 = vector.extract_strided_slice %get3A_4 {offsets = [0, 5, 0], sizes = [96, 1, 224], strides = [1, 1, 1]} : vector<96x56x224xf32> to vector<96x1x224xf32>
    %squeeze3A_81 = vector.shape_cast %slice3A_80 : vector<96x1x224xf32> to vector<96x224xf32>
    %slice3A_82 = vector.extract_strided_slice %add3A {offsets = [0, 5, 0], sizes = [1, 1, 224], strides = [1, 1, 1]} : vector<1x56x224xf32> to vector<1x1x224xf32>
    %squeeze3A_83 = vector.shape_cast %slice3A_82 : vector<1x1x224xf32> to vector<224xf32>
    %broadcast_in_dim3A_84 = vector.shape_cast %squeeze3A_83 : vector<224xf32> to vector<1x224xf32>
    %sub3A_85 = vector.broadcast %broadcast_in_dim3A_84 : vector<1x224xf32> to vector<96x224xf32>
    %sub3A_86 = arith.subf %squeeze3A_81, %sub3A_85 : vector<96x224xf32>
    %transpose3A_87 = tpu.transpose %sub3A_86, [1, 0] : vector<96x224xf32> -> vector<224x96xf32>
    %swap3A_88 = arith.constant 0 : index
    %swap3A_89 = arith.constant 0 : index
    %swap3A_90 = arith.constant 5 : index
    %swap3A_91 = arith.constant 0 : index
    %swap3A_92 = vector.load %arg3[%swap3A_88, %swap3A_89, %swap3A_90, %swap3A_91] : memref<1x224x56x96xf32, #tpu.memory_space<vmem>>, vector<1x224x1x96xf32>
    %swap3A_93 = vector.shape_cast %swap3A_92 : vector<1x224x1x96xf32> to vector<224x96xf32>
    %swap3A_94 = vector.shape_cast %transpose3A_87 : vector<224x96xf32> to vector<1x224x1x96xf32>
    tpu.vector_store %arg3[%swap3A_88, %swap3A_89, %swap3A_90, %swap3A_91], %swap3A_94 {strides = array<i32>} : memref<1x224x56x96xf32, #tpu.memory_space<vmem>>, vector<1x224x1x96xf32>,
    %slice3A_95 = vector.extract_strided_slice %get3A_4 {offsets = [0, 6, 0], sizes = [96, 1, 224], strides = [1, 1, 1]} : vector<96x56x224xf32> to vector<96x1x224xf32>
    %squeeze3A_96 = vector.shape_cast %slice3A_95 : vector<96x1x224xf32> to vector<96x224xf32>
    %slice3A_97 = vector.extract_strided_slice %add3A {offsets = [0, 6, 0], sizes = [1, 1, 224], strides = [1, 1, 1]} : vector<1x56x224xf32> to vector<1x1x224xf32>
    %squeeze3A_98 = vector.shape_cast %slice3A_97 : vector<1x1x224xf32> to vector<224xf32>
    %broadcast_in_dim3A_99 = vector.shape_cast %squeeze3A_98 : vector<224xf32> to vector<1x224xf32>
    %sub3A_100 = vector.broadcast %broadcast_in_dim3A_99 : vector<1x224xf32> to vector<96x224xf32>
    %sub3A_101 = arith.subf %squeeze3A_96, %sub3A_100 : vector<96x224xf32>
    %transpose3A_102 = tpu.transpose %sub3A_101, [1, 0] : vector<96x224xf32> -> vector<224x96xf32>
    %swap3A_103 = arith.constant 0 : index
    %swap3A_104 = arith.constant 0 : index
    %swap3A_105 = arith.constant 6 : index
    %swap3A_106 = arith.constant 0 : index
    %swap3A_107 = vector.load %arg3[%swap3A_103, %swap3A_104, %swap3A_105, %swap3A_106] : memref<1x224x56x96xf32, #tpu.memory_space<vmem>>, vector<1x224x1x96xf32>
    %swap3A_108 = vector.shape_cast %swap3A_107 : vector<1x224x1x96xf32> to vector<224x96xf32>
    %swap3A_109 = vector.shape_cast %transpose3A_102 : vector<224x96xf32> to vector<1x224x1x96xf32>
    tpu.vector_store %arg3[%swap3A_103, %swap3A_104, %swap3A_105, %swap3A_106], %swap3A_109 {strides = array<i32>} : memref<1x224x56x96xf32, #tpu.memory_space<vmem>>, vector<1x224x1x96xf32>,
    %slice3A_110 = vector.extract_strided_slice %get3A_4 {offsets = [0, 7, 0], sizes = [96, 1, 224], strides = [1, 1, 1]} : vector<96x56x224xf32> to vector<96x1x224xf32>
    %squeeze3A_111 = vector.shape_cast %slice3A_110 : vector<96x1x224xf32> to vector<96x224xf32>
    %slice3A_112 = vector.extract_strided_slice %add3A {offsets = [0, 7, 0], sizes = [1, 1, 224], strides = [1, 1, 1]} : vector<1x56x224xf32> to vector<1x1x224xf32>
    %squeeze3A_113 = vector.shape_cast %slice3A_112 : vector<1x1x224xf32> to vector<224xf32>
    %broadcast_in_dim3A_114 = vector.shape_cast %squeeze3A_113 : vector<224xf32> to vector<1x224xf32>
    %sub3A_115 = vector.broadcast %broadcast_in_dim3A_114 : vector<1x224xf32> to vector<96x224xf32>
    %sub3A_116 = arith.subf %squeeze3A_111, %sub3A_115 : vector<96x224xf32>
    %transpose3A_117 = tpu.transpose %sub3A_116, [1, 0] : vector<96x224xf32> -> vector<224x96xf32>
    %swap3A_118 = arith.constant 0 : index
    %swap3A_119 = arith.constant 0 : index
    %swap3A_120 = arith.constant 7 : index
    %swap3A_121 = arith.constant 0 : index
    %swap3A_122 = vector.load %arg3[%swap3A_118, %swap3A_119, %swap3A_120, %swap3A_121] : memref<1x224x56x96xf32, #tpu.memory_space<vmem>>, vector<1x224x1x96xf32>
    %swap3A_123 = vector.shape_cast %swap3A_122 : vector<1x224x1x96xf32> to vector<224x96xf32>
    %swap3A_124 = vector.shape_cast %transpose3A_117 : vector<224x96xf32> to vector<1x224x1x96xf32>
    tpu.vector_store %arg3[%swap3A_118, %swap3A_119, %swap3A_120, %swap3A_121], %swap3A_124 {strides = array<i32>} : memref<1x224x56x96xf32, #tpu.memory_space<vmem>>, vector<1x224x1x96xf32>,
    %slice3A_125 = vector.extract_strided_slice %get3A_4 {offsets = [0, 8, 0], sizes = [96, 1, 224], strides = [1, 1, 1]} : vector<96x56x224xf32> to vector<96x1x224xf32>
    %squeeze3A_126 = vector.shape_cast %slice3A_125 : vector<96x1x224xf32> to vector<96x224xf32>
    %slice3A_127 = vector.extract_strided_slice %add3A {offsets = [0, 8, 0], sizes = [1, 1, 224], strides = [1, 1, 1]} : vector<1x56x224xf32> to vector<1x1x224xf32>
    %squeeze3A_128 = vector.shape_cast %slice3A_127 : vector<1x1x224xf32> to vector<224xf32>
    %broadcast_in_dim3A_129 = vector.shape_cast %squeeze3A_128 : vector<224xf32> to vector<1x224xf32>
    %sub3A_130 = vector.broadcast %broadcast_in_dim3A_129 : vector<1x224xf32> to vector<96x224xf32>
    %sub3A_131 = arith.subf %squeeze3A_126, %sub3A_130 : vector<96x224xf32>
    %transpose3A_132 = tpu.transpose %sub3A_131, [1, 0] : vector<96x224xf32> -> vector<224x96xf32>
    %swap3A_133 = arith.constant 0 : index
    %swap3A_134 = arith.constant 0 : index
    %swap3A_135 = arith.constant 8 : index
    %swap3A_136 = arith.constant 0 : index
    %swap3A_137 = vector.load %arg3[%swap3A_133, %swap3A_134, %swap3A_135, %swap3A_136] : memref<1x224x56x96xf32, #tpu.memory_space<vmem>>, vector<1x224x1x96xf32>
    %swap3A_138 = vector.shape_cast %swap3A_137 : vector<1x224x1x96xf32> to vector<224x96xf32>
    %swap3A_139 = vector.shape_cast %transpose3A_132 : vector<224x96xf32> to vector<1x224x1x96xf32>
    tpu.vector_store %arg3[%swap3A_133, %swap3A_134, %swap3A_135, %swap3A_136], %swap3A_139 {strides = array<i32>} : memref<1x224x56x96xf32, #tpu.memory_space<vmem>>, vector<1x224x1x96xf32>,
    %slice3A_140 = vector.extract_strided_slice %get3A_4 {offsets = [0, 9, 0], sizes = [96, 1, 224], strides = [1, 1, 1]} : vector<96x56x224xf32> to vector<96x1x224xf32>
    %squeeze3A_141 = vector.shape_cast %slice3A_140 : vector<96x1x224xf32> to vector<96x224xf32>
    %slice3A_142 = vector.extract_strided_slice %add3A {offsets = [0, 9, 0], sizes = [1, 1, 224], strides = [1, 1, 1]} : vector<1x56x224xf32> to vector<1x1x224xf32>
    %squeeze3A_143 = vector.shape_cast %slice3A_142 : vector<1x1x224xf32> to vector<224xf32>
    %broadcast_in_dim3A_144 = vector.shape_cast %squeeze3A_143 : vector<224xf32> to vector<1x224xf32>
    %sub3A_145 = vector.broadcast %broadcast_in_dim3A_144 : vector<1x224xf32> to vector<96x224xf32>
    %sub3A_146 = arith.subf %squeeze3A_141, %sub3A_145 : vector<96x224xf32>
    %transpose3A_147 = tpu.transpose %sub3A_146, [1, 0] : vector<96x224xf32> -> vector<224x96xf32>
    %swap3A_148 = arith.constant 0 : index
    %swap3A_149 = arith.constant 0 : index
    %swap3A_150 = arith.constant 9 : index
    %swap3A_151 = arith.constant 0 : index
    %swap3A_152 = vector.load %arg3[%swap3A_148, %swap3A_149, %swap3A_150, %swap3A_151] : memref<1x224x56x96xf32, #tpu.memory_space<vmem>>, vector<1x224x1x96xf32>
    %swap3A_153 = vector.shape_cast %swap3A_152 : vector<1x224x1x96xf32> to vector<224x96xf32>
    %swap3A_154 = vector.shape_cast %transpose3A_147 : vector<224x96xf32> to vector<1x224x1x96xf32>
    tpu.vector_store %arg3[%swap3A_148, %swap3A_149, %swap3A_150, %swap3A_151], %swap3A_154 {strides = array<i32>} : memref<1x224x56x96xf32, #tpu.memory_space<vmem>>, vector<1x224x1x96xf32>,
    %slice3A_155 = vector.extract_strided_slice %get3A_4 {offsets = [0, 10, 0], sizes = [96, 1, 224], strides = [1, 1, 1]} : vector<96x56x224xf32> to vector<96x1x224xf32>
    %squeeze3A_156 = vector.shape_cast %slice3A_155 : vector<96x1x224xf32> to vector<96x224xf32>
    %slice3A_157 = vector.extract_strided_slice %add3A {offsets = [0, 10, 0], sizes = [1, 1, 224], strides = [1, 1, 1]} : vector<1x56x224xf32> to vector<1x1x224xf32>
    %squeeze3A_158 = vector.shape_cast %slice3A_157 : vector<1x1x224xf32> to vector<224xf32>
    %broadcast_in_dim3A_159 = vector.shape_cast %squeeze3A_158 : vector<224xf32> to vector<1x224xf32>
    %sub3A_160 = vector.broadcast %broadcast_in_dim3A_159 : vector<1x224xf32> to vector<96x224xf32>
    %sub3A_161 = arith.subf %squeeze3A_156, %sub3A_160 : vector<96x224xf32>
    %transpose3A_162 = tpu.transpose %sub3A_161, [1, 0] : vector<96x224xf32> -> vector<224x96xf32>
    %swap3A_163 = arith.constant 0 : index
    %swap3A_164 = arith.constant 0 : index
    %swap3A_165 = arith.constant 10 : index
    %swap3A_166 = arith.constant 0 : index
    %swap3A_167 = vector.load %arg3[%swap3A_163, %swap3A_164, %swap3A_165, %swap3A_166] : memref<1x224x56x96xf32, #tpu.memory_space<vmem>>, vector<1x224x1x96xf32>
    %swap3A_168 = vector.shape_cast %swap3A_167 : vector<1x224x1x96xf32> to vector<224x96xf32>
    %swap3A_169 = vector.shape_cast %transpose3A_162 : vector<224x96xf32> to vector<1x224x1x96xf32>
    tpu.vector_store %arg3[%swap3A_163, %swap3A_164, %swap3A_165, %swap3A_166], %swap3A_169 {strides = array<i32>} : memref<1x224x56x96xf32, #tpu.memory_space<vmem>>, vector<1x224x1x96xf32>,
    %slice3A_170 = vector.extract_strided_slice %get3A_4 {offsets = [0, 11, 0], sizes = [96, 1, 224], strides = [1, 1, 1]} : vector<96x56x224xf32> to vector<96x1x224xf32>
    %squeeze3A_171 = vector.shape_cast %slice3A_170 : vector<96x1x224xf32> to vector<96x224xf32>
    %slice3A_172 = vector.extract_strided_slice %add3A {offsets = [0, 11, 0], sizes = [1, 1, 224], strides = [1, 1, 1]} : vector<1x56x224xf32> to vector<1x1x224xf32>
    %squeeze3A_173 = vector.shape_cast %slice3A_172 : vector<1x1x224xf32> to vector<224xf32>
    %broadcast_in_dim3A_174 = vector.shape_cast %squeeze3A_173 : vector<224xf32> to vector<1x224xf32>
    %sub3A_175 = vector.broadcast %broadcast_in_dim3A_174 : vector<1x224xf32> to vector<96x224xf32>
    %sub3A_176 = arith.subf %squeeze3A_171, %sub3A_175 : vector<96x224xf32>
    %transpose3A_177 = tpu.transpose %sub3A_176, [1, 0] : vector<96x224xf32> -> vector<224x96xf32>
    %swap3A_178 = arith.constant 0 : index
    %swap3A_179 = arith.constant 0 : index
    %swap3A_180 = arith.constant 11 : index
    %swap3A_181 = arith.constant 0 : index
    %swap3A_182 = vector.load %arg3[%swap3A_178, %swap3A_179, %swap3A_180, %swap3A_181] : memref<1x224x56x96xf32, #tpu.memory_space<vmem>>, vector<1x224x1x96xf32>
    %swap3A_183 = vector.shape_cast %swap3A_182 : vector<1x224x1x96xf32> to vector<224x96xf32>
    %swap3A_184 = vector.shape_cast %transpose3A_177 : vector<224x96xf32> to vector<1x224x1x96xf32>
    tpu.vector_store %arg3[%swap3A_178, %swap3A_179, %swap3A_180, %swap3A_181], %swap3A_184 {strides = array<i32>} : memref<1x224x56x96xf32, #tpu.memory_space<vmem>>, vector<1x224x1x96xf32>,
    %slice3A_185 = vector.extract_strided_slice %get3A_4 {offsets = [0, 12, 0], sizes = [96, 1, 224], strides = [1, 1, 1]} : vector<96x56x224xf32> to vector<96x1x224xf32>
    %squeeze3A_186 = vector.shape_cast %slice3A_185 : vector<96x1x224xf32> to vector<96x224xf32>
    %slice3A_187 = vector.extract_strided_slice %add3A {offsets = [0, 12, 0], sizes = [1, 1, 224], strides = [1, 1, 1]} : vector<1x56x224xf32> to vector<1x1x224xf32>
    %squeeze3A_188 = vector.shape_cast %slice3A_187 : vector<1x1x224xf32> to vector<224xf32>
    %broadcast_in_dim3A_189 = vector.shape_cast %squeeze3A_188 : vector<224xf32> to vector<1x224xf32>
    %sub3A_190 = vector.broadcast %broadcast_in_dim3A_189 : vector<1x224xf32> to vector<96x224xf32>
    %sub3A_191 = arith.subf %squeeze3A_186, %sub3A_190 : vector<96x224xf32>
    %transpose3A_192 = tpu.transpose %sub3A_191, [1, 0] : vector<96x224xf32> -> vector<224x96xf32>
    %swap3A_193 = arith.constant 0 : index
    %swap3A_194 = arith.constant 0 : index
    %swap3A_195 = arith.constant 12 : index
    %swap3A_196 = arith.constant 0 : index
    %swap3A_197 = vector.load %arg3[%swap3A_193, %swap3A_194, %swap3A_195, %swap3A_196] : memref<1x224x56x96xf32, #tpu.memory_space<vmem>>, vector<1x224x1x96xf32>
    %swap3A_198 = vector.shape_cast %swap3A_197 : vector<1x224x1x96xf32> to vector<224x96xf32>
    %swap3A_199 = vector.shape_cast %transpose3A_192 : vector<224x96xf32> to vector<1x224x1x96xf32>
    tpu.vector_store %arg3[%swap3A_193, %swap3A_194, %swap3A_195, %swap3A_196], %swap3A_199 {strides = array<i32>} : memref<1x224x56x96xf32, #tpu.memory_space<vmem>>, vector<1x224x1x96xf32>,
    %slice3A_200 = vector.extract_strided_slice %get3A_4 {offsets = [0, 13, 0], sizes = [96, 1, 224], strides = [1, 1, 1]} : vector<96x56x224xf32> to vector<96x1x224xf32>
    %squeeze3A_201 = vector.shape_cast %slice3A_200 : vector<96x1x224xf32> to vector<96x224xf32>
    %slice3A_202 = vector.extract_strided_slice %add3A {offsets = [0, 13, 0], sizes = [1, 1, 224], strides = [1, 1, 1]} : vector<1x56x224xf32> to vector<1x1x224xf32>
    %squeeze3A_203 = vector.shape_cast %slice3A_202 : vector<1x1x224xf32> to vector<224xf32>
    %broadcast_in_dim3A_204 = vector.shape_cast %squeeze3A_203 : vector<224xf32> to vector<1x224xf32>
    %sub3A_205 = vector.broadcast %broadcast_in_dim3A_204 : vector<1x224xf32> to vector<96x224xf32>
    %sub3A_206 = arith.subf %squeeze3A_201, %sub3A_205 : vector<96x224xf32>
    %transpose3A_207 = tpu.transpose %sub3A_206, [1, 0] : vector<96x224xf32> -> vector<224x96xf32>
    %swap3A_208 = arith.constant 0 : index
    %swap3A_209 = arith.constant 0 : index
    %swap3A_210 = arith.constant 13 : index
    %swap3A_211 = arith.constant 0 : index
    %swap3A_212 = vector.load %arg3[%swap3A_208, %swap3A_209, %swap3A_210, %swap3A_211] : memref<1x224x56x96xf32, #tpu.memory_space<vmem>>, vector<1x224x1x96xf32>
    %swap3A_213 = vector.shape_cast %swap3A_212 : vector<1x224x1x96xf32> to vector<224x96xf32>
    %swap3A_214 = vector.shape_cast %transpose3A_207 : vector<224x96xf32> to vector<1x224x1x96xf32>
    tpu.vector_store %arg3[%swap3A_208, %swap3A_209, %swap3A_210, %swap3A_211], %swap3A_214 {strides = array<i32>} : memref<1x224x56x96xf32, #tpu.memory_space<vmem>>, vector<1x224x1x96xf32>,
    %slice3A_215 = vector.extract_strided_slice %get3A_4 {offsets = [0, 14, 0], sizes = [96, 1, 224], strides = [1, 1, 1]} : vector<96x56x224xf32> to vector<96x1x224xf32>
    %squeeze3A_216 = vector.shape_cast %slice3A_215 : vector<96x1x224xf32> to vector<96x224xf32>
    %slice3A_217 = vector.extract_strided_slice %add3A {offsets = [0, 14, 0], sizes = [1, 1, 224], strides = [1, 1, 1]} : vector<1x56x224xf32> to vector<1x1x224xf32>
    %squeeze3A_218 = vector.shape_cast %slice3A_217 : vector<1x1x224xf32> to vector<224xf32>
    %broadcast_in_dim3A_219 = vector.shape_cast %squeeze3A_218 : vector<224xf32> to vector<1x224xf32>
    %sub3A_220 = vector.broadcast %broadcast_in_dim3A_219 : vector<1x224xf32> to vector<96x224xf32>
    %sub3A_221 = arith.subf %squeeze3A_216, %sub3A_220 : vector<96x224xf32>
    %transpose3A_222 = tpu.transpose %sub3A_221, [1, 0] : vector<96x224xf32> -> vector<224x96xf32>
    %swap3A_223 = arith.constant 0 : index
    %swap3A_224 = arith.constant 0 : index
    %swap3A_225 = arith.constant 14 : index
    %swap3A_226 = arith.constant 0 : index
    %swap3A_227 = vector.load %arg3[%swap3A_223, %swap3A_224, %swap3A_225, %swap3A_226] : memref<1x224x56x96xf32, #tpu.memory_space<vmem>>, vector<1x224x1x96xf32>
    %swap3A_228 = vector.shape_cast %swap3A_227 : vector<1x224x1x96xf32> to vector<224x96xf32>
    %swap3A_229 = vector.shape_cast %transpose3A_222 : vector<224x96xf32> to vector<1x224x1x96xf32>
    tpu.vector_store %arg3[%swap3A_223, %swap3A_224, %swap3A_225, %swap3A_226], %swap3A_229 {strides = array<i32>} : memref<1x224x56x96xf32, #tpu.memory_space<vmem>>, vector<1x224x1x96xf32>,
    %slice3A_230 = vector.extract_strided_slice %get3A_4 {offsets = [0, 15, 0], sizes = [96, 1, 224], strides = [1, 1, 1]} : vector<96x56x224xf32> to vector<96x1x224xf32>
    %squeeze3A_231 = vector.shape_cast %slice3A_230 : vector<96x1x224xf32> to vector<96x224xf32>
    %slice3A_232 = vector.extract_strided_slice %add3A {offsets = [0, 15, 0], sizes = [1, 1, 224], strides = [1, 1, 1]} : vector<1x56x224xf32> to vector<1x1x224xf32>
    %squeeze3A_233 = vector.shape_cast %slice3A_232 : vector<1x1x224xf32> to vector<224xf32>
    %broadcast_in_dim3A_234 = vector.shape_cast %squeeze3A_233 : vector<224xf32> to vector<1x224xf32>
    %sub3A_235 = vector.broadcast %broadcast_in_dim3A_234 : vector<1x224xf32> to vector<96x224xf32>
    %sub3A_236 = arith.subf %squeeze3A_231, %sub3A_235 : vector<96x224xf32>
    %transpose3A_237 = tpu.transpose %sub3A_236, [1, 0] : vector<96x224xf32> -> vector<224x96xf32>
    %swap3A_238 = arith.constant 0 : index
    %swap3A_239 = arith.constant 0 : index
    %swap3A_240 = arith.constant 15 : index
    %swap3A_241 = arith.constant 0 : index
    %swap3A_242 = vector.load %arg3[%swap3A_238, %swap3A_239, %swap3A_240, %swap3A_241] : memref<1x224x56x96xf32, #tpu.memory_space<vmem>>, vector<1x224x1x96xf32>
    %swap3A_243 = vector.shape_cast %swap3A_242 : vector<1x224x1x96xf32> to vector<224x96xf32>
    %swap3A_244 = vector.shape_cast %transpose3A_237 : vector<224x96xf32> to vector<1x224x1x96xf32>
    tpu.vector_store %arg3[%swap3A_238, %swap3A_239, %swap3A_240, %swap3A_241], %swap3A_244 {strides = array<i32>} : memref<1x224x56x96xf32, #tpu.memory_space<vmem>>, vector<1x224x1x96xf32>,
    %slice3A_245 = vector.extract_strided_slice %get3A_4 {offsets = [0, 16, 0], sizes = [96, 1, 224], strides = [1, 1, 1]} : vector<96x56x224xf32> to vector<96x1x224xf32>
    %squeeze3A_246 = vector.shape_cast %slice3A_245 : vector<96x1x224xf32> to vector<96x224xf32>
    %slice3A_247 = vector.extract_strided_slice %add3A {offsets = [0, 16, 0], sizes = [1, 1, 224], strides = [1, 1, 1]} : vector<1x56x224xf32> to vector<1x1x224xf32>
    %squeeze3A_248 = vector.shape_cast %slice3A_247 : vector<1x1x224xf32> to vector<224xf32>
    %broadcast_in_dim3A_249 = vector.shape_cast %squeeze3A_248 : vector<224xf32> to vector<1x224xf32>
    %sub3A_250 = vector.broadcast %broadcast_in_dim3A_249 : vector<1x224xf32> to vector<96x224xf32>
    %sub3A_251 = arith.subf %squeeze3A_246, %sub3A_250 : vector<96x224xf32>
    %transpose3A_252 = tpu.transpose %sub3A_251, [1, 0] : vector<96x224xf32> -> vector<224x96xf32>
    %swap3A_253 = arith.constant 0 : index
    %swap3A_254 = arith.constant 0 : index
    %swap3A_255 = arith.constant 16 : index
    %swap3A_256 = arith.constant 0 : index
    %swap3A_257 = vector.load %arg3[%swap3A_253, %swap3A_254, %swap3A_255, %swap3A_256] : memref<1x224x56x96xf32, #tpu.memory_space<vmem>>, vector<1x224x1x96xf32>
    %swap3A_258 = vector.shape_cast %swap3A_257 : vector<1x224x1x96xf32> to vector<224x96xf32>
    %swap3A_259 = vector.shape_cast %transpose3A_252 : vector<224x96xf32> to vector<1x224x1x96xf32>
    tpu.vector_store %arg3[%swap3A_253, %swap3A_254, %swap3A_255, %swap3A_256], %swap3A_259 {strides = array<i32>} : memref<1x224x56x96xf32, #tpu.memory_space<vmem>>, vector<1x224x1x96xf32>,
    %slice3A_260 = vector.extract_strided_slice %get3A_4 {offsets = [0, 17, 0], sizes = [96, 1, 224], strides = [1, 1, 1]} : vector<96x56x224xf32> to vector<96x1x224xf32>
    %squeeze3A_261 = vector.shape_cast %slice3A_260 : vector<96x1x224xf32> to vector<96x224xf32>
    %slice3A_262 = vector.extract_strided_slice %add3A {offsets = [0, 17, 0], sizes = [1, 1, 224], strides = [1, 1, 1]} : vector<1x56x224xf32> to vector<1x1x224xf32>
    %squeeze3A_263 = vector.shape_cast %slice3A_262 : vector<1x1x224xf32> to vector<224xf32>
    %broadcast_in_dim3A_264 = vector.shape_cast %squeeze3A_263 : vector<224xf32> to vector<1x224xf32>
    %sub3A_265 = vector.broadcast %broadcast_in_dim3A_264 : vector<1x224xf32> to vector<96x224xf32>
    %sub3A_266 = arith.subf %squeeze3A_261, %sub3A_265 : vector<96x224xf32>
    %transpose3A_267 = tpu.transpose %sub3A_266, [1, 0] : vector<96x224xf32> -> vector<224x96xf32>
    %swap3A_268 = arith.constant 0 : index
    %swap3A_269 = arith.constant 0 : index
    %swap3A_270 = arith.constant 17 : index
    %swap3A_271 = arith.constant 0 : index
    %swap3A_272 = vector.load %arg3[%swap3A_268, %swap3A_269, %swap3A_270, %swap3A_271] : memref<1x224x56x96xf32, #tpu.memory_space<vmem>>, vector<1x224x1x96xf32>
    %swap3A_273 = vector.shape_cast %swap3A_272 : vector<1x224x1x96xf32> to vector<224x96xf32>
    %swap3A_274 = vector.shape_cast %transpose3A_267 : vector<224x96xf32> to vector<1x224x1x96xf32>
    tpu.vector_store %arg3[%swap3A_268, %swap3A_269, %swap3A_270, %swap3A_271], %swap3A_274 {strides = array<i32>} : memref<1x224x56x96xf32, #tpu.memory_space<vmem>>, vector<1x224x1x96xf32>,
    %slice3A_275 = vector.extract_strided_slice %get3A_4 {offsets = [0, 18, 0], sizes = [96, 1, 224], strides = [1, 1, 1]} : vector<96x56x224xf32> to vector<96x1x224xf32>
    %squeeze3A_276 = vector.shape_cast %slice3A_275 : vector<96x1x224xf32> to vector<96x224xf32>
    %slice3A_277 = vector.extract_strided_slice %add3A {offsets = [0, 18, 0], sizes = [1, 1, 224], strides = [1, 1, 1]} : vector<1x56x224xf32> to vector<1x1x224xf32>
    %squeeze3A_278 = vector.shape_cast %slice3A_277 : vector<1x1x224xf32> to vector<224xf32>
    %broadcast_in_dim3A_279 = vector.shape_cast %squeeze3A_278 : vector<224xf32> to vector<1x224xf32>
    %sub3A_280 = vector.broadcast %broadcast_in_dim3A_279 : vector<1x224xf32> to vector<96x224xf32>
    %sub3A_281 = arith.subf %squeeze3A_276, %sub3A_280 : vector<96x224xf32>
    %transpose3A_282 = tpu.transpose %sub3A_281, [1, 0] : vector<96x224xf32> -> vector<224x96xf32>
    %swap3A_283 = arith.constant 0 : index
    %swap3A_284 = arith.constant 0 : index
    %swap3A_285 = arith.constant 18 : index
    %swap3A_286 = arith.constant 0 : index
    %swap3A_287 = vector.load %arg3[%swap3A_283, %swap3A_284, %swap3A_285, %swap3A_286] : memref<1x224x56x96xf32, #tpu.memory_space<vmem>>, vector<1x224x1x96xf32>
    %swap3A_288 = vector.shape_cast %swap3A_287 : vector<1x224x1x96xf32> to vector<224x96xf32>
    %swap3A_289 = vector.shape_cast %transpose3A_282 : vector<224x96xf32> to vector<1x224x1x96xf32>
    tpu.vector_store %arg3[%swap3A_283, %swap3A_284, %swap3A_285, %swap3A_286], %swap3A_289 {strides = array<i32>} : memref<1x224x56x96xf32, #tpu.memory_space<vmem>>, vector<1x224x1x96xf32>,
    %slice3A_290 = vector.extract_strided_slice %get3A_4 {offsets = [0, 19, 0], sizes = [96, 1, 224], strides = [1, 1, 1]} : vector<96x56x224xf32> to vector<96x1x224xf32>
    %squeeze3A_291 = vector.shape_cast %slice3A_290 : vector<96x1x224xf32> to vector<96x224xf32>
    %slice3A_292 = vector.extract_strided_slice %add3A {offsets = [0, 19, 0], sizes = [1, 1, 224], strides = [1, 1, 1]} : vector<1x56x224xf32> to vector<1x1x224xf32>
    %squeeze3A_293 = vector.shape_cast %slice3A_292 : vector<1x1x224xf32> to vector<224xf32>
    %broadcast_in_dim3A_294 = vector.shape_cast %squeeze3A_293 : vector<224xf32> to vector<1x224xf32>
    %sub3A_295 = vector.broadcast %broadcast_in_dim3A_294 : vector<1x224xf32> to vector<96x224xf32>
    %sub3A_296 = arith.subf %squeeze3A_291, %sub3A_295 : vector<96x224xf32>
    %transpose3A_297 = tpu.transpose %sub3A_296, [1, 0] : vector<96x224xf32> -> vector<224x96xf32>
    %swap3A_298 = arith.constant 0 : index
    %swap3A_299 = arith.constant 0 : index
    %swap3A_300 = arith.constant 19 : index
    %swap3A_301 = arith.constant 0 : index
    %swap3A_302 = vector.load %arg3[%swap3A_298, %swap3A_299, %swap3A_300, %swap3A_301] : memref<1x224x56x96xf32, #tpu.memory_space<vmem>>, vector<1x224x1x96xf32>
    %swap3A_303 = vector.shape_cast %swap3A_302 : vector<1x224x1x96xf32> to vector<224x96xf32>
    %swap3A_304 = vector.shape_cast %transpose3A_297 : vector<224x96xf32> to vector<1x224x1x96xf32>
    tpu.vector_store %arg3[%swap3A_298, %swap3A_299, %swap3A_300, %swap3A_301], %swap3A_304 {strides = array<i32>} : memref<1x224x56x96xf32, #tpu.memory_space<vmem>>, vector<1x224x1x96xf32>,
    %slice3A_305 = vector.extract_strided_slice %get3A_4 {offsets = [0, 20, 0], sizes = [96, 1, 224], strides = [1, 1, 1]} : vector<96x56x224xf32> to vector<96x1x224xf32>
    %squeeze3A_306 = vector.shape_cast %slice3A_305 : vector<96x1x224xf32> to vector<96x224xf32>
    %slice3A_307 = vector.extract_strided_slice %add3A {offsets = [0, 20, 0], sizes = [1, 1, 224], strides = [1, 1, 1]} : vector<1x56x224xf32> to vector<1x1x224xf32>
    %squeeze3A_308 = vector.shape_cast %slice3A_307 : vector<1x1x224xf32> to vector<224xf32>
    %broadcast_in_dim3A_309 = vector.shape_cast %squeeze3A_308 : vector<224xf32> to vector<1x224xf32>
    %sub3A_310 = vector.broadcast %broadcast_in_dim3A_309 : vector<1x224xf32> to vector<96x224xf32>
    %sub3A_311 = arith.subf %squeeze3A_306, %sub3A_310 : vector<96x224xf32>
    %transpose3A_312 = tpu.transpose %sub3A_311, [1, 0] : vector<96x224xf32> -> vector<224x96xf32>
    %swap3A_313 = arith.constant 0 : index
    %swap3A_314 = arith.constant 0 : index
    %swap3A_315 = arith.constant 20 : index
    %swap3A_316 = arith.constant 0 : index
    %swap3A_317 = vector.load %arg3[%swap3A_313, %swap3A_314, %swap3A_315, %swap3A_316] : memref<1x224x56x96xf32, #tpu.memory_space<vmem>>, vector<1x224x1x96xf32>
    %swap3A_318 = vector.shape_cast %swap3A_317 : vector<1x224x1x96xf32> to vector<224x96xf32>
    %swap3A_319 = vector.shape_cast %transpose3A_312 : vector<224x96xf32> to vector<1x224x1x96xf32>
    tpu.vector_store %arg3[%swap3A_313, %swap3A_314, %swap3A_315, %swap3A_316], %swap3A_319 {strides = array<i32>} : memref<1x224x56x96xf32, #tpu.memory_space<vmem>>, vector<1x224x1x96xf32>,
    %slice3A_320 = vector.extract_strided_slice %get3A_4 {offsets = [0, 21, 0], sizes = [96, 1, 224], strides = [1, 1, 1]} : vector<96x56x224xf32> to vector<96x1x224xf32>
    %squeeze3A_321 = vector.shape_cast %slice3A_320 : vector<96x1x224xf32> to vector<96x224xf32>
    %slice3A_322 = vector.extract_strided_slice %add3A {offsets = [0, 21, 0], sizes = [1, 1, 224], strides = [1, 1, 1]} : vector<1x56x224xf32> to vector<1x1x224xf32>
    %squeeze3A_323 = vector.shape_cast %slice3A_322 : vector<1x1x224xf32> to vector<224xf32>
    %broadcast_in_dim3A_324 = vector.shape_cast %squeeze3A_323 : vector<224xf32> to vector<1x224xf32>
    %sub3A_325 = vector.broadcast %broadcast_in_dim3A_324 : vector<1x224xf32> to vector<96x224xf32>
    %sub3A_326 = arith.subf %squeeze3A_321, %sub3A_325 : vector<96x224xf32>
    %transpose3A_327 = tpu.transpose %sub3A_326, [1, 0] : vector<96x224xf32> -> vector<224x96xf32>
    %swap3A_328 = arith.constant 0 : index
    %swap3A_329 = arith.constant 0 : index
    %swap3A_330 = arith.constant 21 : index
    %swap3A_331 = arith.constant 0 : index
    %swap3A_332 = vector.load %arg3[%swap3A_328, %swap3A_329, %swap3A_330, %swap3A_331] : memref<1x224x56x96xf32, #tpu.memory_space<vmem>>, vector<1x224x1x96xf32>
    %swap3A_333 = vector.shape_cast %swap3A_332 : vector<1x224x1x96xf32> to vector<224x96xf32>
    %swap3A_334 = vector.shape_cast %transpose3A_327 : vector<224x96xf32> to vector<1x224x1x96xf32>
    tpu.vector_store %arg3[%swap3A_328, %swap3A_329, %swap3A_330, %swap3A_331], %swap3A_334 {strides = array<i32>} : memref<1x224x56x96xf32, #tpu.memory_space<vmem>>, vector<1x224x1x96xf32>,
    %slice3A_335 = vector.extract_strided_slice %get3A_4 {offsets = [0, 22, 0], sizes = [96, 1, 224], strides = [1, 1, 1]} : vector<96x56x224xf32> to vector<96x1x224xf32>
    %squeeze3A_336 = vector.shape_cast %slice3A_335 : vector<96x1x224xf32> to vector<96x224xf32>
    %slice3A_337 = vector.extract_strided_slice %add3A {offsets = [0, 22, 0], sizes = [1, 1, 224], strides = [1, 1, 1]} : vector<1x56x224xf32> to vector<1x1x224xf32>
    %squeeze3A_338 = vector.shape_cast %slice3A_337 : vector<1x1x224xf32> to vector<224xf32>
    %broadcast_in_dim3A_339 = vector.shape_cast %squeeze3A_338 : vector<224xf32> to vector<1x224xf32>
    %sub3A_340 = vector.broadcast %broadcast_in_dim3A_339 : vector<1x224xf32> to vector<96x224xf32>
    %sub3A_341 = arith.subf %squeeze3A_336, %sub3A_340 : vector<96x224xf32>
    %transpose3A_342 = tpu.transpose %sub3A_341, [1, 0] : vector<96x224xf32> -> vector<224x96xf32>
    %swap3A_343 = arith.constant 0 : index
    %swap3A_344 = arith.constant 0 : index
    %swap3A_345 = arith.constant 22 : index
    %swap3A_346 = arith.constant 0 : index
    %swap3A_347 = vector.load %arg3[%swap3A_343, %swap3A_344, %swap3A_345, %swap3A_346] : memref<1x224x56x96xf32, #tpu.memory_space<vmem>>, vector<1x224x1x96xf32>
    %swap3A_348 = vector.shape_cast %swap3A_347 : vector<1x224x1x96xf32> to vector<224x96xf32>
    %swap3A_349 = vector.shape_cast %transpose3A_342 : vector<224x96xf32> to vector<1x224x1x96xf32>
    tpu.vector_store %arg3[%swap3A_343, %swap3A_344, %swap3A_345, %swap3A_346], %swap3A_349 {strides = array<i32>} : memref<1x224x56x96xf32, #tpu.memory_space<vmem>>, vector<1x224x1x96xf32>,
    %slice3A_350 = vector.extract_strided_slice %get3A_4 {offsets = [0, 23, 0], sizes = [96, 1, 224], strides = [1, 1, 1]} : vector<96x56x224xf32> to vector<96x1x224xf32>
    %squeeze3A_351 = vector.shape_cast %slice3A_350 : vector<96x1x224xf32> to vector<96x224xf32>
    %slice3A_352 = vector.extract_strided_slice %add3A {offsets = [0, 23, 0], sizes = [1, 1, 224], strides = [1, 1, 1]} : vector<1x56x224xf32> to vector<1x1x224xf32>
    %squeeze3A_353 = vector.shape_cast %slice3A_352 : vector<1x1x224xf32> to vector<224xf32>
    %broadcast_in_dim3A_354 = vector.shape_cast %squeeze3A_353 : vector<224xf32> to vector<1x224xf32>
    %sub3A_355 = vector.broadcast %broadcast_in_dim3A_354 : vector<1x224xf32> to vector<96x224xf32>
    %sub3A_356 = arith.subf %squeeze3A_351, %sub3A_355 : vector<96x224xf32>
    %transpose3A_357 = tpu.transpose %sub3A_356, [1, 0] : vector<96x224xf32> -> vector<224x96xf32>
    %swap3A_358 = arith.constant 0 : index
    %swap3A_359 = arith.constant 0 : index
    %swap3A_360 = arith.constant 23 : index
    %swap3A_361 = arith.constant 0 : index
    %swap3A_362 = vector.load %arg3[%swap3A_358, %swap3A_359, %swap3A_360, %swap3A_361] : memref<1x224x56x96xf32, #tpu.memory_space<vmem>>, vector<1x224x1x96xf32>
    %swap3A_363 = vector.shape_cast %swap3A_362 : vector<1x224x1x96xf32> to vector<224x96xf32>
    %swap3A_364 = vector.shape_cast %transpose3A_357 : vector<224x96xf32> to vector<1x224x1x96xf32>
    tpu.vector_store %arg3[%swap3A_358, %swap3A_359, %swap3A_360, %swap3A_361], %swap3A_364 {strides = array<i32>} : memref<1x224x56x96xf32, #tpu.memory_space<vmem>>, vector<1x224x1x96xf32>,
    %slice3A_365 = vector.extract_strided_slice %get3A_4 {offsets = [0, 24, 0], sizes = [96, 1, 224], strides = [1, 1, 1]} : vector<96x56x224xf32> to vector<96x1x224xf32>
    %squeeze3A_366 = vector.shape_cast %slice3A_365 : vector<96x1x224xf32> to vector<96x224xf32>
    %slice3A_367 = vector.extract_strided_slice %add3A {offsets = [0, 24, 0], sizes = [1, 1, 224], strides = [1, 1, 1]} : vector<1x56x224xf32> to vector<1x1x224xf32>
    %squeeze3A_368 = vector.shape_cast %slice3A_367 : vector<1x1x224xf32> to vector<224xf32>
    %broadcast_in_dim3A_369 = vector.shape_cast %squeeze3A_368 : vector<224xf32> to vector<1x224xf32>
    %sub3A_370 = vector.broadcast %broadcast_in_dim3A_369 : vector<1x224xf32> to vector<96x224xf32>
    %sub3A_371 = arith.subf %squeeze3A_366, %sub3A_370 : vector<96x224xf32>
    %transpose3A_372 = tpu.transpose %sub3A_371, [1, 0] : vector<96x224xf32> -> vector<224x96xf32>
    %swap3A_373 = arith.constant 0 : index
    %swap3A_374 = arith.constant 0 : index
    %swap3A_375 = arith.constant 24 : index
    %swap3A_376 = arith.constant 0 : index
    %swap3A_377 = vector.load %arg3[%swap3A_373, %swap3A_374, %swap3A_375, %swap3A_376] : memref<1x224x56x96xf32, #tpu.memory_space<vmem>>, vector<1x224x1x96xf32>
    %swap3A_378 = vector.shape_cast %swap3A_377 : vector<1x224x1x96xf32> to vector<224x96xf32>
    %swap3A_379 = vector.shape_cast %transpose3A_372 : vector<224x96xf32> to vector<1x224x1x96xf32>
    tpu.vector_store %arg3[%swap3A_373, %swap3A_374, %swap3A_375, %swap3A_376], %swap3A_379 {strides = array<i32>} : memref<1x224x56x96xf32, #tpu.memory_space<vmem>>, vector<1x224x1x96xf32>,
    %slice3A_380 = vector.extract_strided_slice %get3A_4 {offsets = [0, 25, 0], sizes = [96, 1, 224], strides = [1, 1, 1]} : vector<96x56x224xf32> to vector<96x1x224xf32>
    %squeeze3A_381 = vector.shape_cast %slice3A_380 : vector<96x1x224xf32> to vector<96x224xf32>
    %slice3A_382 = vector.extract_strided_slice %add3A {offsets = [0, 25, 0], sizes = [1, 1, 224], strides = [1, 1, 1]} : vector<1x56x224xf32> to vector<1x1x224xf32>
    %squeeze3A_383 = vector.shape_cast %slice3A_382 : vector<1x1x224xf32> to vector<224xf32>
    %broadcast_in_dim3A_384 = vector.shape_cast %squeeze3A_383 : vector<224xf32> to vector<1x224xf32>
    %sub3A_385 = vector.broadcast %broadcast_in_dim3A_384 : vector<1x224xf32> to vector<96x224xf32>
    %sub3A_386 = arith.subf %squeeze3A_381, %sub3A_385 : vector<96x224xf32>
    %transpose3A_387 = tpu.transpose %sub3A_386, [1, 0] : vector<96x224xf32> -> vector<224x96xf32>
    %swap3A_388 = arith.constant 0 : index
    %swap3A_389 = arith.constant 0 : index
    %swap3A_390 = arith.constant 25 : index
    %swap3A_391 = arith.constant 0 : index
    %swap3A_392 = vector.load %arg3[%swap3A_388, %swap3A_389, %swap3A_390, %swap3A_391] : memref<1x224x56x96xf32, #tpu.memory_space<vmem>>, vector<1x224x1x96xf32>
    %swap3A_393 = vector.shape_cast %swap3A_392 : vector<1x224x1x96xf32> to vector<224x96xf32>
    %swap3A_394 = vector.shape_cast %transpose3A_387 : vector<224x96xf32> to vector<1x224x1x96xf32>
    tpu.vector_store %arg3[%swap3A_388, %swap3A_389, %swap3A_390, %swap3A_391], %swap3A_394 {strides = array<i32>} : memref<1x224x56x96xf32, #tpu.memory_space<vmem>>, vector<1x224x1x96xf32>,
    %slice3A_395 = vector.extract_strided_slice %get3A_4 {offsets = [0, 26, 0], sizes = [96, 1, 224], strides = [1, 1, 1]} : vector<96x56x224xf32> to vector<96x1x224xf32>
    %squeeze3A_396 = vector.shape_cast %slice3A_395 : vector<96x1x224xf32> to vector<96x224xf32>
    %slice3A_397 = vector.extract_strided_slice %add3A {offsets = [0, 26, 0], sizes = [1, 1, 224], strides = [1, 1, 1]} : vector<1x56x224xf32> to vector<1x1x224xf32>
    %squeeze3A_398 = vector.shape_cast %slice3A_397 : vector<1x1x224xf32> to vector<224xf32>
    %broadcast_in_dim3A_399 = vector.shape_cast %squeeze3A_398 : vector<224xf32> to vector<1x224xf32>
    %sub3A_400 = vector.broadcast %broadcast_in_dim3A_399 : vector<1x224xf32> to vector<96x224xf32>
    %sub3A_401 = arith.subf %squeeze3A_396, %sub3A_400 : vector<96x224xf32>
    %transpose3A_402 = tpu.transpose %sub3A_401, [1, 0] : vector<96x224xf32> -> vector<224x96xf32>
    %swap3A_403 = arith.constant 0 : index
    %swap3A_404 = arith.constant 0 : index
    %swap3A_405 = arith.constant 26 : index
    %swap3A_406 = arith.constant 0 : index
    %swap3A_407 = vector.load %arg3[%swap3A_403, %swap3A_404, %swap3A_405, %swap3A_406] : memref<1x224x56x96xf32, #tpu.memory_space<vmem>>, vector<1x224x1x96xf32>
    %swap3A_408 = vector.shape_cast %swap3A_407 : vector<1x224x1x96xf32> to vector<224x96xf32>
    %swap3A_409 = vector.shape_cast %transpose3A_402 : vector<224x96xf32> to vector<1x224x1x96xf32>
    tpu.vector_store %arg3[%swap3A_403, %swap3A_404, %swap3A_405, %swap3A_406], %swap3A_409 {strides = array<i32>} : memref<1x224x56x96xf32, #tpu.memory_space<vmem>>, vector<1x224x1x96xf32>,
    %slice3A_410 = vector.extract_strided_slice %get3A_4 {offsets = [0, 27, 0], sizes = [96, 1, 224], strides = [1, 1, 1]} : vector<96x56x224xf32> to vector<96x1x224xf32>
    %squeeze3A_411 = vector.shape_cast %slice3A_410 : vector<96x1x224xf32> to vector<96x224xf32>
    %slice3A_412 = vector.extract_strided_slice %add3A {offsets = [0, 27, 0], sizes = [1, 1, 224], strides = [1, 1, 1]} : vector<1x56x224xf32> to vector<1x1x224xf32>
    %squeeze3A_413 = vector.shape_cast %slice3A_412 : vector<1x1x224xf32> to vector<224xf32>
    %broadcast_in_dim3A_414 = vector.shape_cast %squeeze3A_413 : vector<224xf32> to vector<1x224xf32>
    %sub3A_415 = vector.broadcast %broadcast_in_dim3A_414 : vector<1x224xf32> to vector<96x224xf32>
    %sub3A_416 = arith.subf %squeeze3A_411, %sub3A_415 : vector<96x224xf32>
    %transpose3A_417 = tpu.transpose %sub3A_416, [1, 0] : vector<96x224xf32> -> vector<224x96xf32>
    %swap3A_418 = arith.constant 0 : index
    %swap3A_419 = arith.constant 0 : index
    %swap3A_420 = arith.constant 27 : index
    %swap3A_421 = arith.constant 0 : index
    %swap3A_422 = vector.load %arg3[%swap3A_418, %swap3A_419, %swap3A_420, %swap3A_421] : memref<1x224x56x96xf32, #tpu.memory_space<vmem>>, vector<1x224x1x96xf32>
    %swap3A_423 = vector.shape_cast %swap3A_422 : vector<1x224x1x96xf32> to vector<224x96xf32>
    %swap3A_424 = vector.shape_cast %transpose3A_417 : vector<224x96xf32> to vector<1x224x1x96xf32>
    tpu.vector_store %arg3[%swap3A_418, %swap3A_419, %swap3A_420, %swap3A_421], %swap3A_424 {strides = array<i32>} : memref<1x224x56x96xf32, #tpu.memory_space<vmem>>, vector<1x224x1x96xf32>,
    %slice3A_425 = vector.extract_strided_slice %get3A_4 {offsets = [0, 28, 0], sizes = [96, 1, 224], strides = [1, 1, 1]} : vector<96x56x224xf32> to vector<96x1x224xf32>
    %squeeze3A_426 = vector.shape_cast %slice3A_425 : vector<96x1x224xf32> to vector<96x224xf32>
    %slice3A_427 = vector.extract_strided_slice %add3A {offsets = [0, 28, 0], sizes = [1, 1, 224], strides = [1, 1, 1]} : vector<1x56x224xf32> to vector<1x1x224xf32>
    %squeeze3A_428 = vector.shape_cast %slice3A_427 : vector<1x1x224xf32> to vector<224xf32>
    %broadcast_in_dim3A_429 = vector.shape_cast %squeeze3A_428 : vector<224xf32> to vector<1x224xf32>
    %sub3A_430 = vector.broadcast %broadcast_in_dim3A_429 : vector<1x224xf32> to vector<96x224xf32>
    %sub3A_431 = arith.subf %squeeze3A_426, %sub3A_430 : vector<96x224xf32>
    %transpose3A_432 = tpu.transpose %sub3A_431, [1, 0] : vector<96x224xf32> -> vector<224x96xf32>
    %swap3A_433 = arith.constant 0 : index
    %swap3A_434 = arith.constant 0 : index
    %swap3A_435 = arith.constant 28 : index
    %swap3A_436 = arith.constant 0 : index
    %swap3A_437 = vector.load %arg3[%swap3A_433, %swap3A_434, %swap3A_435, %swap3A_436] : memref<1x224x56x96xf32, #tpu.memory_space<vmem>>, vector<1x224x1x96xf32>
    %swap3A_438 = vector.shape_cast %swap3A_437 : vector<1x224x1x96xf32> to vector<224x96xf32>
    %swap3A_439 = vector.shape_cast %transpose3A_432 : vector<224x96xf32> to vector<1x224x1x96xf32>
    tpu.vector_store %arg3[%swap3A_433, %swap3A_434, %swap3A_435, %swap3A_436], %swap3A_439 {strides = array<i32>} : memref<1x224x56x96xf32, #tpu.memory_space<vmem>>, vector<1x224x1x96xf32>,
    %slice3A_440 = vector.extract_strided_slice %get3A_4 {offsets = [0, 29, 0], sizes = [96, 1, 224], strides = [1, 1, 1]} : vector<96x56x224xf32> to vector<96x1x224xf32>
    %squeeze3A_441 = vector.shape_cast %slice3A_440 : vector<96x1x224xf32> to vector<96x224xf32>
    %slice3A_442 = vector.extract_strided_slice %add3A {offsets = [0, 29, 0], sizes = [1, 1, 224], strides = [1, 1, 1]} : vector<1x56x224xf32> to vector<1x1x224xf32>
    %squeeze3A_443 = vector.shape_cast %slice3A_442 : vector<1x1x224xf32> to vector<224xf32>
    %broadcast_in_dim3A_444 = vector.shape_cast %squeeze3A_443 : vector<224xf32> to vector<1x224xf32>
    %sub3A_445 = vector.broadcast %broadcast_in_dim3A_444 : vector<1x224xf32> to vector<96x224xf32>
    %sub3A_446 = arith.subf %squeeze3A_441, %sub3A_445 : vector<96x224xf32>
    %transpose3A_447 = tpu.transpose %sub3A_446, [1, 0] : vector<96x224xf32> -> vector<224x96xf32>
    %swap3A_448 = arith.constant 0 : index
    %swap3A_449 = arith.constant 0 : index
    %swap3A_450 = arith.constant 29 : index
    %swap3A_451 = arith.constant 0 : index
    %swap3A_452 = vector.load %arg3[%swap3A_448, %swap3A_449, %swap3A_450, %swap3A_451] : memref<1x224x56x96xf32, #tpu.memory_space<vmem>>, vector<1x224x1x96xf32>
    %swap3A_453 = vector.shape_cast %swap3A_452 : vector<1x224x1x96xf32> to vector<224x96xf32>
    %swap3A_454 = vector.shape_cast %transpose3A_447 : vector<224x96xf32> to vector<1x224x1x96xf32>
    tpu.vector_store %arg3[%swap3A_448, %swap3A_449, %swap3A_450, %swap3A_451], %swap3A_454 {strides = array<i32>} : memref<1x224x56x96xf32, #tpu.memory_space<vmem>>, vector<1x224x1x96xf32>,
    %slice3A_455 = vector.extract_strided_slice %get3A_4 {offsets = [0, 30, 0], sizes = [96, 1, 224], strides = [1, 1, 1]} : vector<96x56x224xf32> to vector<96x1x224xf32>
    %squeeze3A_456 = vector.shape_cast %slice3A_455 : vector<96x1x224xf32> to vector<96x224xf32>
    %slice3A_457 = vector.extract_strided_slice %add3A {offsets = [0, 30, 0], sizes = [1, 1, 224], strides = [1, 1, 1]} : vector<1x56x224xf32> to vector<1x1x224xf32>
    %squeeze3A_458 = vector.shape_cast %slice3A_457 : vector<1x1x224xf32> to vector<224xf32>
    %broadcast_in_dim3A_459 = vector.shape_cast %squeeze3A_458 : vector<224xf32> to vector<1x224xf32>
    %sub3A_460 = vector.broadcast %broadcast_in_dim3A_459 : vector<1x224xf32> to vector<96x224xf32>
    %sub3A_461 = arith.subf %squeeze3A_456, %sub3A_460 : vector<96x224xf32>
    %transpose3A_462 = tpu.transpose %sub3A_461, [1, 0] : vector<96x224xf32> -> vector<224x96xf32>
    %swap3A_463 = arith.constant 0 : index
    %swap3A_464 = arith.constant 0 : index
    %swap3A_465 = arith.constant 30 : index
    %swap3A_466 = arith.constant 0 : index
    %swap3A_467 = vector.load %arg3[%swap3A_463, %swap3A_464, %swap3A_465, %swap3A_466] : memref<1x224x56x96xf32, #tpu.memory_space<vmem>>, vector<1x224x1x96xf32>
    %swap3A_468 = vector.shape_cast %swap3A_467 : vector<1x224x1x96xf32> to vector<224x96xf32>
    %swap3A_469 = vector.shape_cast %transpose3A_462 : vector<224x96xf32> to vector<1x224x1x96xf32>
    tpu.vector_store %arg3[%swap3A_463, %swap3A_464, %swap3A_465, %swap3A_466], %swap3A_469 {strides = array<i32>} : memref<1x224x56x96xf32, #tpu.memory_space<vmem>>, vector<1x224x1x96xf32>,
    %slice3A_470 = vector.extract_strided_slice %get3A_4 {offsets = [0, 31, 0], sizes = [96, 1, 224], strides = [1, 1, 1]} : vector<96x56x224xf32> to vector<96x1x224xf32>
    %squeeze3A_471 = vector.shape_cast %slice3A_470 : vector<96x1x224xf32> to vector<96x224xf32>
    %slice3A_472 = vector.extract_strided_slice %add3A {offsets = [0, 31, 0], sizes = [1, 1, 224], strides = [1, 1, 1]} : vector<1x56x224xf32> to vector<1x1x224xf32>
    %squeeze3A_473 = vector.shape_cast %slice3A_472 : vector<1x1x224xf32> to vector<224xf32>
    %broadcast_in_dim3A_474 = vector.shape_cast %squeeze3A_473 : vector<224xf32> to vector<1x224xf32>
    %sub3A_475 = vector.broadcast %broadcast_in_dim3A_474 : vector<1x224xf32> to vector<96x224xf32>
    %sub3A_476 = arith.subf %squeeze3A_471, %sub3A_475 : vector<96x224xf32>
    %transpose3A_477 = tpu.transpose %sub3A_476, [1, 0] : vector<96x224xf32> -> vector<224x96xf32>
    %swap3A_478 = arith.constant 0 : index
    %swap3A_479 = arith.constant 0 : index
    %swap3A_480 = arith.constant 31 : index
    %swap3A_481 = arith.constant 0 : index
    %swap3A_482 = vector.load %arg3[%swap3A_478, %swap3A_479, %swap3A_480, %swap3A_481] : memref<1x224x56x96xf32, #tpu.memory_space<vmem>>, vector<1x224x1x96xf32>
    %swap3A_483 = vector.shape_cast %swap3A_482 : vector<1x224x1x96xf32> to vector<224x96xf32>
    %swap3A_484 = vector.shape_cast %transpose3A_477 : vector<224x96xf32> to vector<1x224x1x96xf32>
    tpu.vector_store %arg3[%swap3A_478, %swap3A_479, %swap3A_480, %swap3A_481], %swap3A_484 {strides = array<i32>} : memref<1x224x56x96xf32, #tpu.memory_space<vmem>>, vector<1x224x1x96xf32>,
    %slice3A_485 = vector.extract_strided_slice %get3A_4 {offsets = [0, 32, 0], sizes = [96, 1, 224], strides = [1, 1, 1]} : vector<96x56x224xf32> to vector<96x1x224xf32>
    %squeeze3A_486 = vector.shape_cast %slice3A_485 : vector<96x1x224xf32> to vector<96x224xf32>
    %slice3A_487 = vector.extract_strided_slice %add3A {offsets = [0, 32, 0], sizes = [1, 1, 224], strides = [1, 1, 1]} : vector<1x56x224xf32> to vector<1x1x224xf32>
    %squeeze3A_488 = vector.shape_cast %slice3A_487 : vector<1x1x224xf32> to vector<224xf32>
    %broadcast_in_dim3A_489 = vector.shape_cast %squeeze3A_488 : vector<224xf32> to vector<1x224xf32>
    %sub3A_490 = vector.broadcast %broadcast_in_dim3A_489 : vector<1x224xf32> to vector<96x224xf32>
    %sub3A_491 = arith.subf %squeeze3A_486, %sub3A_490 : vector<96x224xf32>
    %transpose3A_492 = tpu.transpose %sub3A_491, [1, 0] : vector<96x224xf32> -> vector<224x96xf32>
    %swap3A_493 = arith.constant 0 : index
    %swap3A_494 = arith.constant 0 : index
    %swap3A_495 = arith.constant 32 : index
    %swap3A_496 = arith.constant 0 : index
    %swap3A_497 = vector.load %arg3[%swap3A_493, %swap3A_494, %swap3A_495, %swap3A_496] : memref<1x224x56x96xf32, #tpu.memory_space<vmem>>, vector<1x224x1x96xf32>
    %swap3A_498 = vector.shape_cast %swap3A_497 : vector<1x224x1x96xf32> to vector<224x96xf32>
    %swap3A_499 = vector.shape_cast %transpose3A_492 : vector<224x96xf32> to vector<1x224x1x96xf32>
    tpu.vector_store %arg3[%swap3A_493, %swap3A_494, %swap3A_495, %swap3A_496], %swap3A_499 {strides = array<i32>} : memref<1x224x56x96xf32, #tpu.memory_space<vmem>>, vector<1x224x1x96xf32>,
    %slice3A_500 = vector.extract_strided_slice %get3A_4 {offsets = [0, 33, 0], sizes = [96, 1, 224], strides = [1, 1, 1]} : vector<96x56x224xf32> to vector<96x1x224xf32>
    %squeeze3A_501 = vector.shape_cast %slice3A_500 : vector<96x1x224xf32> to vector<96x224xf32>
    %slice3A_502 = vector.extract_strided_slice %add3A {offsets = [0, 33, 0], sizes = [1, 1, 224], strides = [1, 1, 1]} : vector<1x56x224xf32> to vector<1x1x224xf32>
    %squeeze3A_503 = vector.shape_cast %slice3A_502 : vector<1x1x224xf32> to vector<224xf32>
    %broadcast_in_dim3A_504 = vector.shape_cast %squeeze3A_503 : vector<224xf32> to vector<1x224xf32>
    %sub3A_505 = vector.broadcast %broadcast_in_dim3A_504 : vector<1x224xf32> to vector<96x224xf32>
    %sub3A_506 = arith.subf %squeeze3A_501, %sub3A_505 : vector<96x224xf32>
    %transpose3A_507 = tpu.transpose %sub3A_506, [1, 0] : vector<96x224xf32> -> vector<224x96xf32>
    %swap3A_508 = arith.constant 0 : index
    %swap3A_509 = arith.constant 0 : index
    %swap3A_510 = arith.constant 33 : index
    %swap3A_511 = arith.constant 0 : index
    %swap3A_512 = vector.load %arg3[%swap3A_508, %swap3A_509, %swap3A_510, %swap3A_511] : memref<1x224x56x96xf32, #tpu.memory_space<vmem>>, vector<1x224x1x96xf32>
    %swap3A_513 = vector.shape_cast %swap3A_512 : vector<1x224x1x96xf32> to vector<224x96xf32>
    %swap3A_514 = vector.shape_cast %transpose3A_507 : vector<224x96xf32> to vector<1x224x1x96xf32>
    tpu.vector_store %arg3[%swap3A_508, %swap3A_509, %swap3A_510, %swap3A_511], %swap3A_514 {strides = array<i32>} : memref<1x224x56x96xf32, #tpu.memory_space<vmem>>, vector<1x224x1x96xf32>,
    %slice3A_515 = vector.extract_strided_slice %get3A_4 {offsets = [0, 34, 0], sizes = [96, 1, 224], strides = [1, 1, 1]} : vector<96x56x224xf32> to vector<96x1x224xf32>
    %squeeze3A_516 = vector.shape_cast %slice3A_515 : vector<96x1x224xf32> to vector<96x224xf32>
    %slice3A_517 = vector.extract_strided_slice %add3A {offsets = [0, 34, 0], sizes = [1, 1, 224], strides = [1, 1, 1]} : vector<1x56x224xf32> to vector<1x1x224xf32>
    %squeeze3A_518 = vector.shape_cast %slice3A_517 : vector<1x1x224xf32> to vector<224xf32>
    %broadcast_in_dim3A_519 = vector.shape_cast %squeeze3A_518 : vector<224xf32> to vector<1x224xf32>
    %sub3A_520 = vector.broadcast %broadcast_in_dim3A_519 : vector<1x224xf32> to vector<96x224xf32>
    %sub3A_521 = arith.subf %squeeze3A_516, %sub3A_520 : vector<96x224xf32>
    %transpose3A_522 = tpu.transpose %sub3A_521, [1, 0] : vector<96x224xf32> -> vector<224x96xf32>
    %swap3A_523 = arith.constant 0 : index
    %swap3A_524 = arith.constant 0 : index
    %swap3A_525 = arith.constant 34 : index
    %swap3A_526 = arith.constant 0 : index
    %swap3A_527 = vector.load %arg3[%swap3A_523, %swap3A_524, %swap3A_525, %swap3A_526] : memref<1x224x56x96xf32, #tpu.memory_space<vmem>>, vector<1x224x1x96xf32>
    %swap3A_528 = vector.shape_cast %swap3A_527 : vector<1x224x1x96xf32> to vector<224x96xf32>
    %swap3A_529 = vector.shape_cast %transpose3A_522 : vector<224x96xf32> to vector<1x224x1x96xf32>
    tpu.vector_store %arg3[%swap3A_523, %swap3A_524, %swap3A_525, %swap3A_526], %swap3A_529 {strides = array<i32>} : memref<1x224x56x96xf32, #tpu.memory_space<vmem>>, vector<1x224x1x96xf32>,
    %slice3A_530 = vector.extract_strided_slice %get3A_4 {offsets = [0, 35, 0], sizes = [96, 1, 224], strides = [1, 1, 1]} : vector<96x56x224xf32> to vector<96x1x224xf32>
    %squeeze3A_531 = vector.shape_cast %slice3A_530 : vector<96x1x224xf32> to vector<96x224xf32>
    %slice3A_532 = vector.extract_strided_slice %add3A {offsets = [0, 35, 0], sizes = [1, 1, 224], strides = [1, 1, 1]} : vector<1x56x224xf32> to vector<1x1x224xf32>
    %squeeze3A_533 = vector.shape_cast %slice3A_532 : vector<1x1x224xf32> to vector<224xf32>
    %broadcast_in_dim3A_534 = vector.shape_cast %squeeze3A_533 : vector<224xf32> to vector<1x224xf32>
    %sub3A_535 = vector.broadcast %broadcast_in_dim3A_534 : vector<1x224xf32> to vector<96x224xf32>
    %sub3A_536 = arith.subf %squeeze3A_531, %sub3A_535 : vector<96x224xf32>
    %transpose3A_537 = tpu.transpose %sub3A_536, [1, 0] : vector<96x224xf32> -> vector<224x96xf32>
    %swap3A_538 = arith.constant 0 : index
    %swap3A_539 = arith.constant 0 : index
    %swap3A_540 = arith.constant 35 : index
    %swap3A_541 = arith.constant 0 : index
    %swap3A_542 = vector.load %arg3[%swap3A_538, %swap3A_539, %swap3A_540, %swap3A_541] : memref<1x224x56x96xf32, #tpu.memory_space<vmem>>, vector<1x224x1x96xf32>
    %swap3A_543 = vector.shape_cast %swap3A_542 : vector<1x224x1x96xf32> to vector<224x96xf32>
    %swap3A_544 = vector.shape_cast %transpose3A_537 : vector<224x96xf32> to vector<1x224x1x96xf32>
    tpu.vector_store %arg3[%swap3A_538, %swap3A_539, %swap3A_540, %swap3A_541], %swap3A_544 {strides = array<i32>} : memref<1x224x56x96xf32, #tpu.memory_space<vmem>>, vector<1x224x1x96xf32>,
    %slice3A_545 = vector.extract_strided_slice %get3A_4 {offsets = [0, 36, 0], sizes = [96, 1, 224], strides = [1, 1, 1]} : vector<96x56x224xf32> to vector<96x1x224xf32>
    %squeeze3A_546 = vector.shape_cast %slice3A_545 : vector<96x1x224xf32> to vector<96x224xf32>
    %slice3A_547 = vector.extract_strided_slice %add3A {offsets = [0, 36, 0], sizes = [1, 1, 224], strides = [1, 1, 1]} : vector<1x56x224xf32> to vector<1x1x224xf32>
    %squeeze3A_548 = vector.shape_cast %slice3A_547 : vector<1x1x224xf32> to vector<224xf32>
    %broadcast_in_dim3A_549 = vector.shape_cast %squeeze3A_548 : vector<224xf32> to vector<1x224xf32>
    %sub3A_550 = vector.broadcast %broadcast_in_dim3A_549 : vector<1x224xf32> to vector<96x224xf32>
    %sub3A_551 = arith.subf %squeeze3A_546, %sub3A_550 : vector<96x224xf32>
    %transpose3A_552 = tpu.transpose %sub3A_551, [1, 0] : vector<96x224xf32> -> vector<224x96xf32>
    %swap3A_553 = arith.constant 0 : index
    %swap3A_554 = arith.constant 0 : index
    %swap3A_555 = arith.constant 36 : index
    %swap3A_556 = arith.constant 0 : index
    %swap3A_557 = vector.load %arg3[%swap3A_553, %swap3A_554, %swap3A_555, %swap3A_556] : memref<1x224x56x96xf32, #tpu.memory_space<vmem>>, vector<1x224x1x96xf32>
    %swap3A_558 = vector.shape_cast %swap3A_557 : vector<1x224x1x96xf32> to vector<224x96xf32>
    %swap3A_559 = vector.shape_cast %transpose3A_552 : vector<224x96xf32> to vector<1x224x1x96xf32>
    tpu.vector_store %arg3[%swap3A_553, %swap3A_554, %swap3A_555, %swap3A_556], %swap3A_559 {strides = array<i32>} : memref<1x224x56x96xf32, #tpu.memory_space<vmem>>, vector<1x224x1x96xf32>,
    %slice3A_560 = vector.extract_strided_slice %get3A_4 {offsets = [0, 37, 0], sizes = [96, 1, 224], strides = [1, 1, 1]} : vector<96x56x224xf32> to vector<96x1x224xf32>
    %squeeze3A_561 = vector.shape_cast %slice3A_560 : vector<96x1x224xf32> to vector<96x224xf32>
    %slice3A_562 = vector.extract_strided_slice %add3A {offsets = [0, 37, 0], sizes = [1, 1, 224], strides = [1, 1, 1]} : vector<1x56x224xf32> to vector<1x1x224xf32>
    %squeeze3A_563 = vector.shape_cast %slice3A_562 : vector<1x1x224xf32> to vector<224xf32>
    %broadcast_in_dim3A_564 = vector.shape_cast %squeeze3A_563 : vector<224xf32> to vector<1x224xf32>
    %sub3A_565 = vector.broadcast %broadcast_in_dim3A_564 : vector<1x224xf32> to vector<96x224xf32>
    %sub3A_566 = arith.subf %squeeze3A_561, %sub3A_565 : vector<96x224xf32>
    %transpose3A_567 = tpu.transpose %sub3A_566, [1, 0] : vector<96x224xf32> -> vector<224x96xf32>
    %swap3A_568 = arith.constant 0 : index
    %swap3A_569 = arith.constant 0 : index
    %swap3A_570 = arith.constant 37 : index
    %swap3A_571 = arith.constant 0 : index
    %swap3A_572 = vector.load %arg3[%swap3A_568, %swap3A_569, %swap3A_570, %swap3A_571] : memref<1x224x56x96xf32, #tpu.memory_space<vmem>>, vector<1x224x1x96xf32>
    %swap3A_573 = vector.shape_cast %swap3A_572 : vector<1x224x1x96xf32> to vector<224x96xf32>
    %swap3A_574 = vector.shape_cast %transpose3A_567 : vector<224x96xf32> to vector<1x224x1x96xf32>
    tpu.vector_store %arg3[%swap3A_568, %swap3A_569, %swap3A_570, %swap3A_571], %swap3A_574 {strides = array<i32>} : memref<1x224x56x96xf32, #tpu.memory_space<vmem>>, vector<1x224x1x96xf32>,
    %slice3A_575 = vector.extract_strided_slice %get3A_4 {offsets = [0, 38, 0], sizes = [96, 1, 224], strides = [1, 1, 1]} : vector<96x56x224xf32> to vector<96x1x224xf32>
    %squeeze3A_576 = vector.shape_cast %slice3A_575 : vector<96x1x224xf32> to vector<96x224xf32>
    %slice3A_577 = vector.extract_strided_slice %add3A {offsets = [0, 38, 0], sizes = [1, 1, 224], strides = [1, 1, 1]} : vector<1x56x224xf32> to vector<1x1x224xf32>
    %squeeze3A_578 = vector.shape_cast %slice3A_577 : vector<1x1x224xf32> to vector<224xf32>
    %broadcast_in_dim3A_579 = vector.shape_cast %squeeze3A_578 : vector<224xf32> to vector<1x224xf32>
    %sub3A_580 = vector.broadcast %broadcast_in_dim3A_579 : vector<1x224xf32> to vector<96x224xf32>
    %sub3A_581 = arith.subf %squeeze3A_576, %sub3A_580 : vector<96x224xf32>
    %transpose3A_582 = tpu.transpose %sub3A_581, [1, 0] : vector<96x224xf32> -> vector<224x96xf32>
    %swap3A_583 = arith.constant 0 : index
    %swap3A_584 = arith.constant 0 : index
    %swap3A_585 = arith.constant 38 : index
    %swap3A_586 = arith.constant 0 : index
    %swap3A_587 = vector.load %arg3[%swap3A_583, %swap3A_584, %swap3A_585, %swap3A_586] : memref<1x224x56x96xf32, #tpu.memory_space<vmem>>, vector<1x224x1x96xf32>
    %swap3A_588 = vector.shape_cast %swap3A_587 : vector<1x224x1x96xf32> to vector<224x96xf32>
    %swap3A_589 = vector.shape_cast %transpose3A_582 : vector<224x96xf32> to vector<1x224x1x96xf32>
    tpu.vector_store %arg3[%swap3A_583, %swap3A_584, %swap3A_585, %swap3A_586], %swap3A_589 {strides = array<i32>} : memref<1x224x56x96xf32, #tpu.memory_space<vmem>>, vector<1x224x1x96xf32>,
    %slice3A_590 = vector.extract_strided_slice %get3A_4 {offsets = [0, 39, 0], sizes = [96, 1, 224], strides = [1, 1, 1]} : vector<96x56x224xf32> to vector<96x1x224xf32>
    %squeeze3A_591 = vector.shape_cast %slice3A_590 : vector<96x1x224xf32> to vector<96x224xf32>
    %slice3A_592 = vector.extract_strided_slice %add3A {offsets = [0, 39, 0], sizes = [1, 1, 224], strides = [1, 1, 1]} : vector<1x56x224xf32> to vector<1x1x224xf32>
    %squeeze3A_593 = vector.shape_cast %slice3A_592 : vector<1x1x224xf32> to vector<224xf32>
    %broadcast_in_dim3A_594 = vector.shape_cast %squeeze3A_593 : vector<224xf32> to vector<1x224xf32>
    %sub3A_595 = vector.broadcast %broadcast_in_dim3A_594 : vector<1x224xf32> to vector<96x224xf32>
    %sub3A_596 = arith.subf %squeeze3A_591, %sub3A_595 : vector<96x224xf32>
    %transpose3A_597 = tpu.transpose %sub3A_596, [1, 0] : vector<96x224xf32> -> vector<224x96xf32>
    %swap3A_598 = arith.constant 0 : index
    %swap3A_599 = arith.constant 0 : index
    %swap3A_600 = arith.constant 39 : index
    %swap3A_601 = arith.constant 0 : index
    %swap3A_602 = vector.load %arg3[%swap3A_598, %swap3A_599, %swap3A_600, %swap3A_601] : memref<1x224x56x96xf32, #tpu.memory_space<vmem>>, vector<1x224x1x96xf32>
    %swap3A_603 = vector.shape_cast %swap3A_602 : vector<1x224x1x96xf32> to vector<224x96xf32>
    %swap3A_604 = vector.shape_cast %transpose3A_597 : vector<224x96xf32> to vector<1x224x1x96xf32>
    tpu.vector_store %arg3[%swap3A_598, %swap3A_599, %swap3A_600, %swap3A_601], %swap3A_604 {strides = array<i32>} : memref<1x224x56x96xf32, #tpu.memory_space<vmem>>, vector<1x224x1x96xf32>,
    %slice3A_605 = vector.extract_strided_slice %get3A_4 {offsets = [0, 40, 0], sizes = [96, 1, 224], strides = [1, 1, 1]} : vector<96x56x224xf32> to vector<96x1x224xf32>
    %squeeze3A_606 = vector.shape_cast %slice3A_605 : vector<96x1x224xf32> to vector<96x224xf32>
    %slice3A_607 = vector.extract_strided_slice %add3A {offsets = [0, 40, 0], sizes = [1, 1, 224], strides = [1, 1, 1]} : vector<1x56x224xf32> to vector<1x1x224xf32>
    %squeeze3A_608 = vector.shape_cast %slice3A_607 : vector<1x1x224xf32> to vector<224xf32>
    %broadcast_in_dim3A_609 = vector.shape_cast %squeeze3A_608 : vector<224xf32> to vector<1x224xf32>
    %sub3A_610 = vector.broadcast %broadcast_in_dim3A_609 : vector<1x224xf32> to vector<96x224xf32>
    %sub3A_611 = arith.subf %squeeze3A_606, %sub3A_610 : vector<96x224xf32>
    %transpose3A_612 = tpu.transpose %sub3A_611, [1, 0] : vector<96x224xf32> -> vector<224x96xf32>
    %swap3A_613 = arith.constant 0 : index
    %swap3A_614 = arith.constant 0 : index
    %swap3A_615 = arith.constant 40 : index
    %swap3A_616 = arith.constant 0 : index
    %swap3A_617 = vector.load %arg3[%swap3A_613, %swap3A_614, %swap3A_615, %swap3A_616] : memref<1x224x56x96xf32, #tpu.memory_space<vmem>>, vector<1x224x1x96xf32>
    %swap3A_618 = vector.shape_cast %swap3A_617 : vector<1x224x1x96xf32> to vector<224x96xf32>
    %swap3A_619 = vector.shape_cast %transpose3A_612 : vector<224x96xf32> to vector<1x224x1x96xf32>
    tpu.vector_store %arg3[%swap3A_613, %swap3A_614, %swap3A_615, %swap3A_616], %swap3A_619 {strides = array<i32>} : memref<1x224x56x96xf32, #tpu.memory_space<vmem>>, vector<1x224x1x96xf32>,
    %slice3A_620 = vector.extract_strided_slice %get3A_4 {offsets = [0, 41, 0], sizes = [96, 1, 224], strides = [1, 1, 1]} : vector<96x56x224xf32> to vector<96x1x224xf32>
    %squeeze3A_621 = vector.shape_cast %slice3A_620 : vector<96x1x224xf32> to vector<96x224xf32>
    %slice3A_622 = vector.extract_strided_slice %add3A {offsets = [0, 41, 0], sizes = [1, 1, 224], strides = [1, 1, 1]} : vector<1x56x224xf32> to vector<1x1x224xf32>
    %squeeze3A_623 = vector.shape_cast %slice3A_622 : vector<1x1x224xf32> to vector<224xf32>
    %broadcast_in_dim3A_624 = vector.shape_cast %squeeze3A_623 : vector<224xf32> to vector<1x224xf32>
    %sub3A_625 = vector.broadcast %broadcast_in_dim3A_624 : vector<1x224xf32> to vector<96x224xf32>
    %sub3A_626 = arith.subf %squeeze3A_621, %sub3A_625 : vector<96x224xf32>
    %transpose3A_627 = tpu.transpose %sub3A_626, [1, 0] : vector<96x224xf32> -> vector<224x96xf32>
    %swap3A_628 = arith.constant 0 : index
    %swap3A_629 = arith.constant 0 : index
    %swap3A_630 = arith.constant 41 : index
    %swap3A_631 = arith.constant 0 : index
    %swap3A_632 = vector.load %arg3[%swap3A_628, %swap3A_629, %swap3A_630, %swap3A_631] : memref<1x224x56x96xf32, #tpu.memory_space<vmem>>, vector<1x224x1x96xf32>
    %swap3A_633 = vector.shape_cast %swap3A_632 : vector<1x224x1x96xf32> to vector<224x96xf32>
    %swap3A_634 = vector.shape_cast %transpose3A_627 : vector<224x96xf32> to vector<1x224x1x96xf32>
    tpu.vector_store %arg3[%swap3A_628, %swap3A_629, %swap3A_630, %swap3A_631], %swap3A_634 {strides = array<i32>} : memref<1x224x56x96xf32, #tpu.memory_space<vmem>>, vector<1x224x1x96xf32>,
    %slice3A_635 = vector.extract_strided_slice %get3A_4 {offsets = [0, 42, 0], sizes = [96, 1, 224], strides = [1, 1, 1]} : vector<96x56x224xf32> to vector<96x1x224xf32>
    %squeeze3A_636 = vector.shape_cast %slice3A_635 : vector<96x1x224xf32> to vector<96x224xf32>
    %slice3A_637 = vector.extract_strided_slice %add3A {offsets = [0, 42, 0], sizes = [1, 1, 224], strides = [1, 1, 1]} : vector<1x56x224xf32> to vector<1x1x224xf32>
    %squeeze3A_638 = vector.shape_cast %slice3A_637 : vector<1x1x224xf32> to vector<224xf32>
    %broadcast_in_dim3A_639 = vector.shape_cast %squeeze3A_638 : vector<224xf32> to vector<1x224xf32>
    %sub3A_640 = vector.broadcast %broadcast_in_dim3A_639 : vector<1x224xf32> to vector<96x224xf32>
    %sub3A_641 = arith.subf %squeeze3A_636, %sub3A_640 : vector<96x224xf32>
    %transpose3A_642 = tpu.transpose %sub3A_641, [1, 0] : vector<96x224xf32> -> vector<224x96xf32>
    %swap3A_643 = arith.constant 0 : index
    %swap3A_644 = arith.constant 0 : index
    %swap3A_645 = arith.constant 42 : index
    %swap3A_646 = arith.constant 0 : index
    %swap3A_647 = vector.load %arg3[%swap3A_643, %swap3A_644, %swap3A_645, %swap3A_646] : memref<1x224x56x96xf32, #tpu.memory_space<vmem>>, vector<1x224x1x96xf32>
    %swap3A_648 = vector.shape_cast %swap3A_647 : vector<1x224x1x96xf32> to vector<224x96xf32>
    %swap3A_649 = vector.shape_cast %transpose3A_642 : vector<224x96xf32> to vector<1x224x1x96xf32>
    tpu.vector_store %arg3[%swap3A_643, %swap3A_644, %swap3A_645, %swap3A_646], %swap3A_649 {strides = array<i32>} : memref<1x224x56x96xf32, #tpu.memory_space<vmem>>, vector<1x224x1x96xf32>,
    %slice3A_650 = vector.extract_strided_slice %get3A_4 {offsets = [0, 43, 0], sizes = [96, 1, 224], strides = [1, 1, 1]} : vector<96x56x224xf32> to vector<96x1x224xf32>
    %squeeze3A_651 = vector.shape_cast %slice3A_650 : vector<96x1x224xf32> to vector<96x224xf32>
    %slice3A_652 = vector.extract_strided_slice %add3A {offsets = [0, 43, 0], sizes = [1, 1, 224], strides = [1, 1, 1]} : vector<1x56x224xf32> to vector<1x1x224xf32>
    %squeeze3A_653 = vector.shape_cast %slice3A_652 : vector<1x1x224xf32> to vector<224xf32>
    %broadcast_in_dim3A_654 = vector.shape_cast %squeeze3A_653 : vector<224xf32> to vector<1x224xf32>
    %sub3A_655 = vector.broadcast %broadcast_in_dim3A_654 : vector<1x224xf32> to vector<96x224xf32>
    %sub3A_656 = arith.subf %squeeze3A_651, %sub3A_655 : vector<96x224xf32>
    %transpose3A_657 = tpu.transpose %sub3A_656, [1, 0] : vector<96x224xf32> -> vector<224x96xf32>
    %swap3A_658 = arith.constant 0 : index
    %swap3A_659 = arith.constant 0 : index
    %swap3A_660 = arith.constant 43 : index
    %swap3A_661 = arith.constant 0 : index
    %swap3A_662 = vector.load %arg3[%swap3A_658, %swap3A_659, %swap3A_660, %swap3A_661] : memref<1x224x56x96xf32, #tpu.memory_space<vmem>>, vector<1x224x1x96xf32>
    %swap3A_663 = vector.shape_cast %swap3A_662 : vector<1x224x1x96xf32> to vector<224x96xf32>
    %swap3A_664 = vector.shape_cast %transpose3A_657 : vector<224x96xf32> to vector<1x224x1x96xf32>
    tpu.vector_store %arg3[%swap3A_658, %swap3A_659, %swap3A_660, %swap3A_661], %swap3A_664 {strides = array<i32>} : memref<1x224x56x96xf32, #tpu.memory_space<vmem>>, vector<1x224x1x96xf32>,
    %slice3A_665 = vector.extract_strided_slice %get3A_4 {offsets = [0, 44, 0], sizes = [96, 1, 224], strides = [1, 1, 1]} : vector<96x56x224xf32> to vector<96x1x224xf32>
    %squeeze3A_666 = vector.shape_cast %slice3A_665 : vector<96x1x224xf32> to vector<96x224xf32>
    %slice3A_667 = vector.extract_strided_slice %add3A {offsets = [0, 44, 0], sizes = [1, 1, 224], strides = [1, 1, 1]} : vector<1x56x224xf32> to vector<1x1x224xf32>
    %squeeze3A_668 = vector.shape_cast %slice3A_667 : vector<1x1x224xf32> to vector<224xf32>
    %broadcast_in_dim3A_669 = vector.shape_cast %squeeze3A_668 : vector<224xf32> to vector<1x224xf32>
    %sub3A_670 = vector.broadcast %broadcast_in_dim3A_669 : vector<1x224xf32> to vector<96x224xf32>
    %sub3A_671 = arith.subf %squeeze3A_666, %sub3A_670 : vector<96x224xf32>
    %transpose3A_672 = tpu.transpose %sub3A_671, [1, 0] : vector<96x224xf32> -> vector<224x96xf32>
    %swap3A_673 = arith.constant 0 : index
    %swap3A_674 = arith.constant 0 : index
    %swap3A_675 = arith.constant 44 : index
    %swap3A_676 = arith.constant 0 : index
    %swap3A_677 = vector.load %arg3[%swap3A_673, %swap3A_674, %swap3A_675, %swap3A_676] : memref<1x224x56x96xf32, #tpu.memory_space<vmem>>, vector<1x224x1x96xf32>
    %swap3A_678 = vector.shape_cast %swap3A_677 : vector<1x224x1x96xf32> to vector<224x96xf32>
    %swap3A_679 = vector.shape_cast %transpose3A_672 : vector<224x96xf32> to vector<1x224x1x96xf32>
    tpu.vector_store %arg3[%swap3A_673, %swap3A_674, %swap3A_675, %swap3A_676], %swap3A_679 {strides = array<i32>} : memref<1x224x56x96xf32, #tpu.memory_space<vmem>>, vector<1x224x1x96xf32>,
    %slice3A_680 = vector.extract_strided_slice %get3A_4 {offsets = [0, 45, 0], sizes = [96, 1, 224], strides = [1, 1, 1]} : vector<96x56x224xf32> to vector<96x1x224xf32>
    %squeeze3A_681 = vector.shape_cast %slice3A_680 : vector<96x1x224xf32> to vector<96x224xf32>
    %slice3A_682 = vector.extract_strided_slice %add3A {offsets = [0, 45, 0], sizes = [1, 1, 224], strides = [1, 1, 1]} : vector<1x56x224xf32> to vector<1x1x224xf32>
    %squeeze3A_683 = vector.shape_cast %slice3A_682 : vector<1x1x224xf32> to vector<224xf32>
    %broadcast_in_dim3A_684 = vector.shape_cast %squeeze3A_683 : vector<224xf32> to vector<1x224xf32>
    %sub3A_685 = vector.broadcast %broadcast_in_dim3A_684 : vector<1x224xf32> to vector<96x224xf32>
    %sub3A_686 = arith.subf %squeeze3A_681, %sub3A_685 : vector<96x224xf32>
    %transpose3A_687 = tpu.transpose %sub3A_686, [1, 0] : vector<96x224xf32> -> vector<224x96xf32>
    %swap3A_688 = arith.constant 0 : index
    %swap3A_689 = arith.constant 0 : index
    %swap3A_690 = arith.constant 45 : index
    %swap3A_691 = arith.constant 0 : index
    %swap3A_692 = vector.load %arg3[%swap3A_688, %swap3A_689, %swap3A_690, %swap3A_691] : memref<1x224x56x96xf32, #tpu.memory_space<vmem>>, vector<1x224x1x96xf32>
    %swap3A_693 = vector.shape_cast %swap3A_692 : vector<1x224x1x96xf32> to vector<224x96xf32>
    %swap3A_694 = vector.shape_cast %transpose3A_687 : vector<224x96xf32> to vector<1x224x1x96xf32>
    tpu.vector_store %arg3[%swap3A_688, %swap3A_689, %swap3A_690, %swap3A_691], %swap3A_694 {strides = array<i32>} : memref<1x224x56x96xf32, #tpu.memory_space<vmem>>, vector<1x224x1x96xf32>,
    %slice3A_695 = vector.extract_strided_slice %get3A_4 {offsets = [0, 46, 0], sizes = [96, 1, 224], strides = [1, 1, 1]} : vector<96x56x224xf32> to vector<96x1x224xf32>
    %squeeze3A_696 = vector.shape_cast %slice3A_695 : vector<96x1x224xf32> to vector<96x224xf32>
    %slice3A_697 = vector.extract_strided_slice %add3A {offsets = [0, 46, 0], sizes = [1, 1, 224], strides = [1, 1, 1]} : vector<1x56x224xf32> to vector<1x1x224xf32>
    %squeeze3A_698 = vector.shape_cast %slice3A_697 : vector<1x1x224xf32> to vector<224xf32>
    %broadcast_in_dim3A_699 = vector.shape_cast %squeeze3A_698 : vector<224xf32> to vector<1x224xf32>
    %sub3A_700 = vector.broadcast %broadcast_in_dim3A_699 : vector<1x224xf32> to vector<96x224xf32>
    %sub3A_701 = arith.subf %squeeze3A_696, %sub3A_700 : vector<96x224xf32>
    %transpose3A_702 = tpu.transpose %sub3A_701, [1, 0] : vector<96x224xf32> -> vector<224x96xf32>
    %swap3A_703 = arith.constant 0 : index
    %swap3A_704 = arith.constant 0 : index
    %swap3A_705 = arith.constant 46 : index
    %swap3A_706 = arith.constant 0 : index
    %swap3A_707 = vector.load %arg3[%swap3A_703, %swap3A_704, %swap3A_705, %swap3A_706] : memref<1x224x56x96xf32, #tpu.memory_space<vmem>>, vector<1x224x1x96xf32>
    %swap3A_708 = vector.shape_cast %swap3A_707 : vector<1x224x1x96xf32> to vector<224x96xf32>
    %swap3A_709 = vector.shape_cast %transpose3A_702 : vector<224x96xf32> to vector<1x224x1x96xf32>
    tpu.vector_store %arg3[%swap3A_703, %swap3A_704, %swap3A_705, %swap3A_706], %swap3A_709 {strides = array<i32>} : memref<1x224x56x96xf32, #tpu.memory_space<vmem>>, vector<1x224x1x96xf32>,
    %slice3A_710 = vector.extract_strided_slice %get3A_4 {offsets = [0, 47, 0], sizes = [96, 1, 224], strides = [1, 1, 1]} : vector<96x56x224xf32> to vector<96x1x224xf32>
    %squeeze3A_711 = vector.shape_cast %slice3A_710 : vector<96x1x224xf32> to vector<96x224xf32>
    %slice3A_712 = vector.extract_strided_slice %add3A {offsets = [0, 47, 0], sizes = [1, 1, 224], strides = [1, 1, 1]} : vector<1x56x224xf32> to vector<1x1x224xf32>
    %squeeze3A_713 = vector.shape_cast %slice3A_712 : vector<1x1x224xf32> to vector<224xf32>
    %broadcast_in_dim3A_714 = vector.shape_cast %squeeze3A_713 : vector<224xf32> to vector<1x224xf32>
    %sub3A_715 = vector.broadcast %broadcast_in_dim3A_714 : vector<1x224xf32> to vector<96x224xf32>
    %sub3A_716 = arith.subf %squeeze3A_711, %sub3A_715 : vector<96x224xf32>
    %transpose3A_717 = tpu.transpose %sub3A_716, [1, 0] : vector<96x224xf32> -> vector<224x96xf32>
    %swap3A_718 = arith.constant 0 : index
    %swap3A_719 = arith.constant 0 : index
    %swap3A_720 = arith.constant 47 : index
    %swap3A_721 = arith.constant 0 : index
    %swap3A_722 = vector.load %arg3[%swap3A_718, %swap3A_719, %swap3A_720, %swap3A_721] : memref<1x224x56x96xf32, #tpu.memory_space<vmem>>, vector<1x224x1x96xf32>
    %swap3A_723 = vector.shape_cast %swap3A_722 : vector<1x224x1x96xf32> to vector<224x96xf32>
    %swap3A_724 = vector.shape_cast %transpose3A_717 : vector<224x96xf32> to vector<1x224x1x96xf32>
    tpu.vector_store %arg3[%swap3A_718, %swap3A_719, %swap3A_720, %swap3A_721], %swap3A_724 {strides = array<i32>} : memref<1x224x56x96xf32, #tpu.memory_space<vmem>>, vector<1x224x1x96xf32>,
    %slice3A_725 = vector.extract_strided_slice %get3A_4 {offsets = [0, 48, 0], sizes = [96, 1, 224], strides = [1, 1, 1]} : vector<96x56x224xf32> to vector<96x1x224xf32>
    %squeeze3A_726 = vector.shape_cast %slice3A_725 : vector<96x1x224xf32> to vector<96x224xf32>
    %slice3A_727 = vector.extract_strided_slice %add3A {offsets = [0, 48, 0], sizes = [1, 1, 224], strides = [1, 1, 1]} : vector<1x56x224xf32> to vector<1x1x224xf32>
    %squeeze3A_728 = vector.shape_cast %slice3A_727 : vector<1x1x224xf32> to vector<224xf32>
    %broadcast_in_dim3A_729 = vector.shape_cast %squeeze3A_728 : vector<224xf32> to vector<1x224xf32>
    %sub3A_730 = vector.broadcast %broadcast_in_dim3A_729 : vector<1x224xf32> to vector<96x224xf32>
    %sub3A_731 = arith.subf %squeeze3A_726, %sub3A_730 : vector<96x224xf32>
    %transpose3A_732 = tpu.transpose %sub3A_731, [1, 0] : vector<96x224xf32> -> vector<224x96xf32>
    %swap3A_733 = arith.constant 0 : index
    %swap3A_734 = arith.constant 0 : index
    %swap3A_735 = arith.constant 48 : index
    %swap3A_736 = arith.constant 0 : index
    %swap3A_737 = vector.load %arg3[%swap3A_733, %swap3A_734, %swap3A_735, %swap3A_736] : memref<1x224x56x96xf32, #tpu.memory_space<vmem>>, vector<1x224x1x96xf32>
    %swap3A_738 = vector.shape_cast %swap3A_737 : vector<1x224x1x96xf32> to vector<224x96xf32>
    %swap3A_739 = vector.shape_cast %transpose3A_732 : vector<224x96xf32> to vector<1x224x1x96xf32>
    tpu.vector_store %arg3[%swap3A_733, %swap3A_734, %swap3A_735, %swap3A_736], %swap3A_739 {strides = array<i32>} : memref<1x224x56x96xf32, #tpu.memory_space<vmem>>, vector<1x224x1x96xf32>,
    %slice3A_740 = vector.extract_strided_slice %get3A_4 {offsets = [0, 49, 0], sizes = [96, 1, 224], strides = [1, 1, 1]} : vector<96x56x224xf32> to vector<96x1x224xf32>
    %squeeze3A_741 = vector.shape_cast %slice3A_740 : vector<96x1x224xf32> to vector<96x224xf32>
    %slice3A_742 = vector.extract_strided_slice %add3A {offsets = [0, 49, 0], sizes = [1, 1, 224], strides = [1, 1, 1]} : vector<1x56x224xf32> to vector<1x1x224xf32>
    %squeeze3A_743 = vector.shape_cast %slice3A_742 : vector<1x1x224xf32> to vector<224xf32>
    %broadcast_in_dim3A_744 = vector.shape_cast %squeeze3A_743 : vector<224xf32> to vector<1x224xf32>
    %sub3A_745 = vector.broadcast %broadcast_in_dim3A_744 : vector<1x224xf32> to vector<96x224xf32>
    %sub3A_746 = arith.subf %squeeze3A_741, %sub3A_745 : vector<96x224xf32>
    %transpose3A_747 = tpu.transpose %sub3A_746, [1, 0] : vector<96x224xf32> -> vector<224x96xf32>
    %swap3A_748 = arith.constant 0 : index
    %swap3A_749 = arith.constant 0 : index
    %swap3A_750 = arith.constant 49 : index
    %swap3A_751 = arith.constant 0 : index
    %swap3A_752 = vector.load %arg3[%swap3A_748, %swap3A_749, %swap3A_750, %swap3A_751] : memref<1x224x56x96xf32, #tpu.memory_space<vmem>>, vector<1x224x1x96xf32>
    %swap3A_753 = vector.shape_cast %swap3A_752 : vector<1x224x1x96xf32> to vector<224x96xf32>
    %swap3A_754 = vector.shape_cast %transpose3A_747 : vector<224x96xf32> to vector<1x224x1x96xf32>
    tpu.vector_store %arg3[%swap3A_748, %swap3A_749, %swap3A_750, %swap3A_751], %swap3A_754 {strides = array<i32>} : memref<1x224x56x96xf32, #tpu.memory_space<vmem>>, vector<1x224x1x96xf32>,
    %slice3A_755 = vector.extract_strided_slice %get3A_4 {offsets = [0, 50, 0], sizes = [96, 1, 224], strides = [1, 1, 1]} : vector<96x56x224xf32> to vector<96x1x224xf32>
    %squeeze3A_756 = vector.shape_cast %slice3A_755 : vector<96x1x224xf32> to vector<96x224xf32>
    %slice3A_757 = vector.extract_strided_slice %add3A {offsets = [0, 50, 0], sizes = [1, 1, 224], strides = [1, 1, 1]} : vector<1x56x224xf32> to vector<1x1x224xf32>
    %squeeze3A_758 = vector.shape_cast %slice3A_757 : vector<1x1x224xf32> to vector<224xf32>
    %broadcast_in_dim3A_759 = vector.shape_cast %squeeze3A_758 : vector<224xf32> to vector<1x224xf32>
    %sub3A_760 = vector.broadcast %broadcast_in_dim3A_759 : vector<1x224xf32> to vector<96x224xf32>
    %sub3A_761 = arith.subf %squeeze3A_756, %sub3A_760 : vector<96x224xf32>
    %transpose3A_762 = tpu.transpose %sub3A_761, [1, 0] : vector<96x224xf32> -> vector<224x96xf32>
    %swap3A_763 = arith.constant 0 : index
    %swap3A_764 = arith.constant 0 : index
    %swap3A_765 = arith.constant 50 : index
    %swap3A_766 = arith.constant 0 : index
    %swap3A_767 = vector.load %arg3[%swap3A_763, %swap3A_764, %swap3A_765, %swap3A_766] : memref<1x224x56x96xf32, #tpu.memory_space<vmem>>, vector<1x224x1x96xf32>
    %swap3A_768 = vector.shape_cast %swap3A_767 : vector<1x224x1x96xf32> to vector<224x96xf32>
    %swap3A_769 = vector.shape_cast %transpose3A_762 : vector<224x96xf32> to vector<1x224x1x96xf32>
    tpu.vector_store %arg3[%swap3A_763, %swap3A_764, %swap3A_765, %swap3A_766], %swap3A_769 {strides = array<i32>} : memref<1x224x56x96xf32, #tpu.memory_space<vmem>>, vector<1x224x1x96xf32>,
    %slice3A_770 = vector.extract_strided_slice %get3A_4 {offsets = [0, 51, 0], sizes = [96, 1, 224], strides = [1, 1, 1]} : vector<96x56x224xf32> to vector<96x1x224xf32>
    %squeeze3A_771 = vector.shape_cast %slice3A_770 : vector<96x1x224xf32> to vector<96x224xf32>
    %slice3A_772 = vector.extract_strided_slice %add3A {offsets = [0, 51, 0], sizes = [1, 1, 224], strides = [1, 1, 1]} : vector<1x56x224xf32> to vector<1x1x224xf32>
    %squeeze3A_773 = vector.shape_cast %slice3A_772 : vector<1x1x224xf32> to vector<224xf32>
    %broadcast_in_dim3A_774 = vector.shape_cast %squeeze3A_773 : vector<224xf32> to vector<1x224xf32>
    %sub3A_775 = vector.broadcast %broadcast_in_dim3A_774 : vector<1x224xf32> to vector<96x224xf32>
    %sub3A_776 = arith.subf %squeeze3A_771, %sub3A_775 : vector<96x224xf32>
    %transpose3A_777 = tpu.transpose %sub3A_776, [1, 0] : vector<96x224xf32> -> vector<224x96xf32>
    %swap3A_778 = arith.constant 0 : index
    %swap3A_779 = arith.constant 0 : index
    %swap3A_780 = arith.constant 51 : index
    %swap3A_781 = arith.constant 0 : index
    %swap3A_782 = vector.load %arg3[%swap3A_778, %swap3A_779, %swap3A_780, %swap3A_781] : memref<1x224x56x96xf32, #tpu.memory_space<vmem>>, vector<1x224x1x96xf32>
    %swap3A_783 = vector.shape_cast %swap3A_782 : vector<1x224x1x96xf32> to vector<224x96xf32>
    %swap3A_784 = vector.shape_cast %transpose3A_777 : vector<224x96xf32> to vector<1x224x1x96xf32>
    tpu.vector_store %arg3[%swap3A_778, %swap3A_779, %swap3A_780, %swap3A_781], %swap3A_784 {strides = array<i32>} : memref<1x224x56x96xf32, #tpu.memory_space<vmem>>, vector<1x224x1x96xf32>,
    %slice3A_785 = vector.extract_strided_slice %get3A_4 {offsets = [0, 52, 0], sizes = [96, 1, 224], strides = [1, 1, 1]} : vector<96x56x224xf32> to vector<96x1x224xf32>
    %squeeze3A_786 = vector.shape_cast %slice3A_785 : vector<96x1x224xf32> to vector<96x224xf32>
    %slice3A_787 = vector.extract_strided_slice %add3A {offsets = [0, 52, 0], sizes = [1, 1, 224], strides = [1, 1, 1]} : vector<1x56x224xf32> to vector<1x1x224xf32>
    %squeeze3A_788 = vector.shape_cast %slice3A_787 : vector<1x1x224xf32> to vector<224xf32>
    %broadcast_in_dim3A_789 = vector.shape_cast %squeeze3A_788 : vector<224xf32> to vector<1x224xf32>
    %sub3A_790 = vector.broadcast %broadcast_in_dim3A_789 : vector<1x224xf32> to vector<96x224xf32>
    %sub3A_791 = arith.subf %squeeze3A_786, %sub3A_790 : vector<96x224xf32>
    %transpose3A_792 = tpu.transpose %sub3A_791, [1, 0] : vector<96x224xf32> -> vector<224x96xf32>
    %swap3A_793 = arith.constant 0 : index
    %swap3A_794 = arith.constant 0 : index
    %swap3A_795 = arith.constant 52 : index
    %swap3A_796 = arith.constant 0 : index
    %swap3A_797 = vector.load %arg3[%swap3A_793, %swap3A_794, %swap3A_795, %swap3A_796] : memref<1x224x56x96xf32, #tpu.memory_space<vmem>>, vector<1x224x1x96xf32>
    %swap3A_798 = vector.shape_cast %swap3A_797 : vector<1x224x1x96xf32> to vector<224x96xf32>
    %swap3A_799 = vector.shape_cast %transpose3A_792 : vector<224x96xf32> to vector<1x224x1x96xf32>
    tpu.vector_store %arg3[%swap3A_793, %swap3A_794, %swap3A_795, %swap3A_796], %swap3A_799 {strides = array<i32>} : memref<1x224x56x96xf32, #tpu.memory_space<vmem>>, vector<1x224x1x96xf32>,
    %slice3A_800 = vector.extract_strided_slice %get3A_4 {offsets = [0, 53, 0], sizes = [96, 1, 224], strides = [1, 1, 1]} : vector<96x56x224xf32> to vector<96x1x224xf32>
    %squeeze3A_801 = vector.shape_cast %slice3A_800 : vector<96x1x224xf32> to vector<96x224xf32>
    %slice3A_802 = vector.extract_strided_slice %add3A {offsets = [0, 53, 0], sizes = [1, 1, 224], strides = [1, 1, 1]} : vector<1x56x224xf32> to vector<1x1x224xf32>
    %squeeze3A_803 = vector.shape_cast %slice3A_802 : vector<1x1x224xf32> to vector<224xf32>
    %broadcast_in_dim3A_804 = vector.shape_cast %squeeze3A_803 : vector<224xf32> to vector<1x224xf32>
    %sub3A_805 = vector.broadcast %broadcast_in_dim3A_804 : vector<1x224xf32> to vector<96x224xf32>
    %sub3A_806 = arith.subf %squeeze3A_801, %sub3A_805 : vector<96x224xf32>
    %transpose3A_807 = tpu.transpose %sub3A_806, [1, 0] : vector<96x224xf32> -> vector<224x96xf32>
    %swap3A_808 = arith.constant 0 : index
    %swap3A_809 = arith.constant 0 : index
    %swap3A_810 = arith.constant 53 : index
    %swap3A_811 = arith.constant 0 : index
    %swap3A_812 = vector.load %arg3[%swap3A_808, %swap3A_809, %swap3A_810, %swap3A_811] : memref<1x224x56x96xf32, #tpu.memory_space<vmem>>, vector<1x224x1x96xf32>
    %swap3A_813 = vector.shape_cast %swap3A_812 : vector<1x224x1x96xf32> to vector<224x96xf32>
    %swap3A_814 = vector.shape_cast %transpose3A_807 : vector<224x96xf32> to vector<1x224x1x96xf32>
    tpu.vector_store %arg3[%swap3A_808, %swap3A_809, %swap3A_810, %swap3A_811], %swap3A_814 {strides = array<i32>} : memref<1x224x56x96xf32, #tpu.memory_space<vmem>>, vector<1x224x1x96xf32>,
    %slice3A_815 = vector.extract_strided_slice %get3A_4 {offsets = [0, 54, 0], sizes = [96, 1, 224], strides = [1, 1, 1]} : vector<96x56x224xf32> to vector<96x1x224xf32>
    %squeeze3A_816 = vector.shape_cast %slice3A_815 : vector<96x1x224xf32> to vector<96x224xf32>
    %slice3A_817 = vector.extract_strided_slice %add3A {offsets = [0, 54, 0], sizes = [1, 1, 224], strides = [1, 1, 1]} : vector<1x56x224xf32> to vector<1x1x224xf32>
    %squeeze3A_818 = vector.shape_cast %slice3A_817 : vector<1x1x224xf32> to vector<224xf32>
    %broadcast_in_dim3A_819 = vector.shape_cast %squeeze3A_818 : vector<224xf32> to vector<1x224xf32>
    %sub3A_820 = vector.broadcast %broadcast_in_dim3A_819 : vector<1x224xf32> to vector<96x224xf32>
    %sub3A_821 = arith.subf %squeeze3A_816, %sub3A_820 : vector<96x224xf32>
    %transpose3A_822 = tpu.transpose %sub3A_821, [1, 0] : vector<96x224xf32> -> vector<224x96xf32>
    %swap3A_823 = arith.constant 0 : index
    %swap3A_824 = arith.constant 0 : index
    %swap3A_825 = arith.constant 54 : index
    %swap3A_826 = arith.constant 0 : index
    %swap3A_827 = vector.load %arg3[%swap3A_823, %swap3A_824, %swap3A_825, %swap3A_826] : memref<1x224x56x96xf32, #tpu.memory_space<vmem>>, vector<1x224x1x96xf32>
    %swap3A_828 = vector.shape_cast %swap3A_827 : vector<1x224x1x96xf32> to vector<224x96xf32>
    %swap3A_829 = vector.shape_cast %transpose3A_822 : vector<224x96xf32> to vector<1x224x1x96xf32>
    tpu.vector_store %arg3[%swap3A_823, %swap3A_824, %swap3A_825, %swap3A_826], %swap3A_829 {strides = array<i32>} : memref<1x224x56x96xf32, #tpu.memory_space<vmem>>, vector<1x224x1x96xf32>,
    %slice3A_830 = vector.extract_strided_slice %get3A_4 {offsets = [0, 55, 0], sizes = [96, 1, 224], strides = [1, 1, 1]} : vector<96x56x224xf32> to vector<96x1x224xf32>
    %squeeze3A_831 = vector.shape_cast %slice3A_830 : vector<96x1x224xf32> to vector<96x224xf32>
    %slice3A_832 = vector.extract_strided_slice %add3A {offsets = [0, 55, 0], sizes = [1, 1, 224], strides = [1, 1, 1]} : vector<1x56x224xf32> to vector<1x1x224xf32>
    %squeeze3A_833 = vector.shape_cast %slice3A_832 : vector<1x1x224xf32> to vector<224xf32>
    %broadcast_in_dim3A_834 = vector.shape_cast %squeeze3A_833 : vector<224xf32> to vector<1x224xf32>
    %sub3A_835 = vector.broadcast %broadcast_in_dim3A_834 : vector<1x224xf32> to vector<96x224xf32>
    %sub3A_836 = arith.subf %squeeze3A_831, %sub3A_835 : vector<96x224xf32>
    %transpose3A_837 = tpu.transpose %sub3A_836, [1, 0] : vector<96x224xf32> -> vector<224x96xf32>
    %swap3A_838 = arith.constant 0 : index
    %swap3A_839 = arith.constant 0 : index
    %swap3A_840 = arith.constant 55 : index
    %swap3A_841 = arith.constant 0 : index
    %swap3A_842 = vector.load %arg3[%swap3A_838, %swap3A_839, %swap3A_840, %swap3A_841] : memref<1x224x56x96xf32, #tpu.memory_space<vmem>>, vector<1x224x1x96xf32>
    %swap3A_843 = vector.shape_cast %swap3A_842 : vector<1x224x1x96xf32> to vector<224x96xf32>
    %swap3A_844 = vector.shape_cast %transpose3A_837 : vector<224x96xf32> to vector<1x224x1x96xf32>
    tpu.vector_store %arg3[%swap3A_838, %swap3A_839, %swap3A_840, %swap3A_841], %swap3A_844 {strides = array<i32>} : memref<1x224x56x96xf32, #tpu.memory_space<vmem>>, vector<1x224x1x96xf32>,
    return
  }
  func.func @transform_0(%arg0: i32, %arg1: i32) -> (i32, i32, i32, i32) {
    %c0_i32 = arith.constant 0 : i32
    %c0_i32_0 = arith.constant 0 : i32
    %c0_i32_1 = arith.constant 0 : i32
    return %arg0, %c0_i32, %arg1, %c0_i32_0 : i32, i32, i32, i32
  }
  func.func @transform_1(%arg0: i32, %arg1: i32) -> (i32, i32, i32, i32) {
    %c0_i32 = arith.constant 0 : i32
    %c0_i32_0 = arith.constant 0 : i32
    %c0_i32_1 = arith.constant 0 : i32
    return %arg0, %c0_i32, %arg1, %c0_i32_0 : i32, i32, i32, i32
  }
}

</mosaic_0001>

<sc_bundles>
// kernel: sparse-core-data-format-call.cloned.1.call-start
scs
called_computation_lowered:
.L_overlay_start_0:
0x0: {  	s2 =	sld [smem:$0x3FD9]  }
0x1: {  	s3 =	sld [smem:$0x3FFE];
	_ =	sdelay $0x1  }
0x2: {  	s1 =	srdreg.scid  }
0x3: {  	s0 =	sand.u32 $0x1, s1  }
0x4: {  	s18 =	sshll.u32 s0, $0xA;
	s2 =	sadd.s32 s3, s2  }
0x5: {  	s2 =	sadd.s32 s2, s18  }
0x6: {  	[smem:$0x3FC7] =	sst s2  }
0x7: {  	_ = 	snop  }
0x8: {  	s2 =	sld [smem:$0x3FD0];
	(tm) =	ssettm $0x1  }
0x9: {  	s19 =	sld [smem:$0x3FFB];
	_ =	sdelay $0x3  }
0xa: {  	_ =	strace s19  }
0xb: {  	s3 =	sld [smem:$0x3FFC];
	_ =	sdelay $0x3  }
0xc: {  	_ =	strace s3  }
0xd: {  	s3 =	sld [smem:$0x3FFD];
	_ =	sdelay $0x3  }
0xe: {  	_ =	strace s3  }
0xf: {  	_ =	strace $0x8FFFFFFF  }
0x10: {  	s20 =	sld [smem:$0x3FDB];
	_ =	sdelay $0x1  }
0x11: {  	s4 =	simm.s32 $_scs_section_size  }
0x12: {  	s5 =	simm.s32 $_size__tile_overlayer_lowered;
	s6 =	simm.s32 $_tile_overlayer_lowered  }
0x13: {  	s23 =	simm.s32 $0x1BFF;
	s22 =	sshll.u32 s6, $0x1;
	s3 =	sadd.s32 s4, s20  }
0x14: {  	s7 =	simm.s32 $0x0;
	s21 =	sshll.u32 s5, $0x1;
	s5 =	sadd.s32 s22, s3  }
0x15: {  	[timem:s7], [sflag:s23] =	dma.local [hbm:s5], s21  }
0x16: {  	_ =	swait.ge [sflag:s23], s21  }
0x17: {  	s4 =	ssub.s32 $0x0, s21;
	[sflag:s23] =	ssyncset.done $0x0  }
0x18: {  	[sflag:s23] =	ssyncadd.s32 s4;
	_ =	sdelay $0x1  }
0x19: {  	s24 =	simm.s32 $0x1B8B  }
0x1a: {  	_ =	swait.ge [sflag:s24], $0x1  }
0x1b: {  	[sflag:s24] =	ssyncset.done $0x0  }
0x1c: {  	s26 =	simm.s32 $0x1B8E;
	s25 =	sld [smem:$0x3FFE];
	[sflag:s24] =	ssyncadd.s32 $0xFFFFFFFF  }
0x1d: {  	s27 =	simm.s32 $execute0_lowered;
	[smem:$0x3FD2] =	sst s26  }
0x1e: {  	s5 =	sshll.u32 s27, $0x1;
	_ =	strace $0x80000046;
	[dreg:$0x1] =	wrdreg $0xFFFFFFFF  }
0x1f: {  	s28 =	simm.s32 $_size_execute0_lowered;
	s3 =	sadd.s32 s3, s5;
	[dreg:$0x0] =	wrdreg $0x0  }
0x20: {  	s5 =	sshll.u32 s28, $0x1;
	[dreg:$0x2] =	wrdreg s3  }
0x21: {  	[dreg:$0x3] =	wrdreg s5  }
0x22: {  	[dreg:$0x4] =	wrdreg $0xC0  }
0x23: {  	_ =	task [dreg:s7], $0x5FFFF  }
0x24: {  	[dreg:$0x1] =	wrdreg $0xFFFFFFFF  }
0x25: {  	[dreg:$0x0] =	wrdreg $0x60  }
0x26: {  	[dreg:$0x2] =	wrdreg s25  }
0x27: {  	[dreg:$0x3] =	wrdreg s2  }
0x28: {  	[dreg:$0x4] =	wrdreg $0x9  }
0x29: {  	_ =	task.clear_ibuf [dreg:s7], $0x5FFFF;
	_ =	strace $0x90000046  }
0x2a: {  	s29 =	simm.s32 $0x9;
	_ =	strace $0x80000048  }
0x2b: {  	_ =	swait.ge [sflag:s29], $0x1  }
0x2c: {  	[sflag:s29] =	ssyncadd.s32 $0xFFFFFFFF  }
0x2d: {  	_ =	strace $0x90000048  }
0x2e: {  	_ =	sfence  }
0x2f: {  	s30 =	sld [smem:$0x0];
	_ =	sdelay $0x2  }
0x30: {  	s31 =	sshll.u32 s1, $0xD;
	s1 =	sshrl.u32 s1, $0x2  }
0x31: {  	s3 =	sand.u32 $0x4000, s31;
	s1 =	sadd.s32 s1, s30  }
0x32: {  	s0 =	sor.u32 s3, s0;
	s1 =	sshll.u32 s1, $0x11  }
0x33: {  	s0 =	sor.u32 s1, s0  }
0x34: {  	s0 =	sadd.s32 $0x8F2B, s0  }
0x35: {  	[sflag:s0] =	ssyncadd.remote.s32 $0x1  }
0x36: {  	_ =	sfence.sel $0xFFFF  }
0x37: {  	[dreg:$0x0] =	wrdreg $0xFFFFFFFF;
	(pc) =	sbr.abs _section_cstart, $3  }
0x38: {  	[dreg:$0x1] =	wrdreg $0xFFFFFFFF  }
0x39: {  	_ =	task.clear_ibuf [dreg:s7], $0x2FFFF;
	_ =	strace $0x9FFFFFFF  }
0x3a: {  	(tm) =	ssettm $0x7FFFFFFF  }
0x3b: {  	_ =	shalt  }
tec
execute0_lowered:
.L_overlay_start_1:
0x0: {  	(tag) =	ssettag $0x1  }
0x1: {  	s0 =	srdreg.scid  }
0x2: {  	s5 =	rddreg [dreg:$0x0];
	s1 =	sshll.u32 s0, $0x4  }
0x3: {  	s2 =	rddreg [dreg:$0x1];
	s0 =	stileid.u32;
	s1 =	sand.u32 $0x10, s1  }
0x4: {  	s4 =	simm.s32 $0x1;
	s8 =	simm.s32 $0x2;
	s1 =	sor.u32 s0, s1  }
0x5: {  	s12 =	simm.s32 $0x0;
	s9 =	simm.s32 $0x0;
	s3 =	sshll.u32 s1, $0x7  }
0x6: {  	s11 =	simm.s32 $0x0;
	s5 =	sadd.s32 $0x400, s5;
	s6 =	ssub.s32 $0x62000, s3  }
.Ltmp0:
0x7: {  	s1 =	rddreg [dreg:$0x2];
	s7 =	sand.u32 $0xF80, s6;
	(pc) =	sbr.rel .LBB1_1-.Ltmp0, $4  }
0x8: {  	_ =	strace $0x80000047;
	p0 =	sne.s32 s7, $0x0;
	s7 =	simm.s32 $0x1  }
0x9: {  	[sflag:s4] =	ssyncpa.u1 $0x0;
	s6 =	sshrl.u32 s6, $0xC;
	s7 =	simm.s32 @!p0 $0x0  }
0xa: {  	s10 =	smov.u32 s3;
	[sflag:s8] =	ssyncpa.u1 $0x0;
	s6 =	sadd.s32 s7, s6  }
0xb: {  	s8 =	simm.s32 $0x310000;
	p0 =	por $0x0, $0x0;
	s7 =	sadd.s32 $0x1, s6  }
.LBB1_4:
0xc: {  	s18 =	sshll.u32 s9, $0x3  }
0xd: {  	s19 =	sand.u32 $0x7F, s9;
	s20 =	sand.u32 $0xFFFFFC00, s18;
	s18 =	smulhi.u32 $0x5397829D, s18  }
0xe: {  	v5 =	vld [tilespmem:s14+$0xFFFFFFD0];
	[tilespmem:s16+$0x2040 ss:$0x81] =	vst.msk $0xffff, v3;
	s19 =	sor.u32 s19, s20  }
0xf: {  	v58 =	vld [tilespmem:s14+$0xFFFFFFE0];
	[tilespmem:s16+$0x2850 ss:$0x81] =	vst.msk $0xffff, v4;
	s20 =	smulhi.u32 $0x5397829D, s19;
	s18 =	sshrl.u32 s18, $0x11  }
0x10: {  	s17 =	sshra.s32 s17, $0x2;
	v59 =	vld [tilespmem:s14+$0xFFFFFFF0];
	[tilespmem:s16+$0x3060 ss:$0x81] =	vst.msk $0xffff, v2;
	p1 =	sgt.s32 s9, $0x61F80;
	s21 =	smul.u32 $0x2AAB, s18  }
0x11: {  	v60 =	vld [tilespmem:s14+$0x0];
	[tilespmem:s16+$0x0 ss:$0x81] =	vst.msk $0xffff, v0;
	s26 =	sshra.s32 s9, $0x1F;
	s15 =	sadd.s32 s17, s15;
	s20 =	sshrl.u32 s20, $0x11  }
0x12: {  	v61 =	vld [tilespmem:s14+$0x10];
	[tilespmem:s15+$0x3870 ss:$0x81] =	vst.msk $0xffff, v1;
	s24 =	smul.u32 $0x62000, s20;
	s25 =	sshrl.u32 s21, $0x14;
	s20 =	smov.u32 s9  }
0x13: {  	v62 =	vld [tilespmem:s14+$0x20];
	[tilespmem:s15+$0x810 ss:$0x81] =	vst.msk $0xffff, v5;
	s21 =	sand.u32 s26, s9;
	s17 =	smul.u32 $0x60, s25;
	s20 =	simm.s32 @!p1 $0x61F80  }
0x14: {  	v63 =	vld [tilespmem:s14+$0xFFFFFFC0];
	[tilespmem:s15+$0x1020 ss:$0x81] =	vst.msk $0xffff, v58;
	s27 =	ssub.s32 s19, s24;
	s28 =	ssub.s32 s20, s21  }
0x15: {  	[tilespmem:s15+$0x1830 ss:$0x81] =	vst.msk $0xffff, v59;
	s17 =	ssub.s32 s18, s17;
	s29 =	sadd.s32 $0xFFF9E080, s28;
	s16 =	ssub.s32 $0x62000, s28  }
0x16: {  	[tilespmem:s15+$0x2040 ss:$0x81] =	vst.msk $0xffff, v60;
	s30 =	sshrl.u32 s27, $0x3;
	s17 =	sand.u32 $0xFFFF, s17;
	s16 =	smul.u32 $0x180, s16  }
0x17: {  	[tilespmem:s15+$0x2850 ss:$0x81] =	vst.msk $0xffff, v61;
	s14 =	sand.u32 $0x7, s27;
	p1 =	sgt.s32 s29, $0x7F;
	s17 =	smul.u32 $0xC400, s17  }
0x18: {  	[tilespmem:s15+$0x3060 ss:$0x81] =	vst.msk $0xffff, v62;
	s18 =	sadd.s32 s2, s30;
	s14 =	sshll.u32 s14, $0x12;
	s16 =	sshrl.u32 s16, $0x2  }
0x19: {  	[tilespmem:s15+$0x0 ss:$0x81] =	vst.msk $0xffff, v63;
	s14 =	sor.u32 $0x400, s14;
	s16 =	simm.s32 @p1 $0x0;
	s31 =	sadd.s32 s17, s18  }
0x1a: {  	[hbm4b:s31+s14] =	stream.strided.scatter [tilespmem:s13], [sflag:$0x2], s16, s8, s14, $0x20;
	[tilespmem:$0x10100] =	vst v63  }
.LBB1_5:
0x1b: {  	p1 =	slt.u32 s11, $0x2  }
0x1c: {  	p2 =	sgt.s32 @!p1 s12, $0x61F80  }
0x1d: {  	s13 =	smov.u32 s12;
	s14 =	sshra.s32 @!p1 s12, $0x1F;
	p2 =	por !p2, p1  }
0x1e: {  	s12 =	sand.u32 @!p1 s14, s12;
	s13 =	simm.s32 @p2 $0x61F80  }
0x1f: {  	s12 =	ssub.s32 @!p1 s13, s12  }
0x20: {  	s13 =	ssub.s32 @!p1 $0x62000, s12  }
0x21: {  	s12 =	sadd.s32 @!p1 $0xFFF9E080, s12;
	s13 =	smul.u32 @!p1 $0x180, s13  }
0x22: {  	p2 =	sgt.s32 @!p1 s12, $0x7F  }
0x23: {  	s14 =	sadd.s32 $0x1000, s10;
	p2 =	por !p2, p1;
	s12 =	sshrl.u32 @!p1 s13, $0x2  }
0x24: {  	s12 =	simm.s32 @!p2 $0x0;
	p2 =	sgt.s32 s14, $0x61FFF  }
0x25: {  	s14 =	smov.u32 @p2 s3;
	p2 =	sne.s32 s11, s7  }
.Ltmp1:
0x26: {  	_ = 	snop;
	(pc) =	sbr.rel @!p2 .LBB1_6-.Ltmp1, $4  }
0x27: {  	s13 =	simm.s32 @!p1 $0x2  }
0x28: {  	p0 =	por !p0, !p0;
	_ =	swait.ge @!p1 [sflag:s13], s12;
	s15 =	ssub.s32 @!p1 $0x0, s12  }
0x29: {  	s12 =	smov.u32 s9;
	s11 =	sadd.s32 $0x1, s11;
	[sflag:s13] =	ssyncset.done @!p1 $0x0  }
0x2a: {  	s9 =	smov.u32 s10;
	s10 =	smov.u32 s14;
	[sflag:s13] =	ssyncadd.s32 @!p1 s15  }
.LBB1_1:
0x2b: {  	p1 =	sge.u32 s11, s6  }
0x2c: {  	s13 =	sand.u32 @!p1 $0x1FFFFFF, s10  }
0x2d: {  	s14 =	smulhi.u32 @!p1 $0x14E5E0B, s13;
	_ =	sdelay $0x1  }
0x2e: {  	s14 =	sshrl.u32 @!p1 s14, $0xB  }
0x2f: {  	s14 =	smul.u32 @!p1 $0x62000, s14;
	_ =	sdelay $0x1  }
0x30: {  	s15 =	sxor.u32 @!p1 $0xFFFFFFFF, s11;
	s13 =	ssub.s32 @!p1 s13, s14  }
0x31: {  	s31 =	sadd.s32 $0xFFFFFFFF, s11;
	s14 =	sshll.u32 @!p1 s15, $0xE;
	s13 =	sshll.u32 @!p1 s13, $0x4  }
0x32: {  	s15 =	simm.s32 @!p1 $0x0;
	s14 =	sand.u32 @!p1 $0x4000, s14;
	s13 =	sadd.s32 @!p1 s5, s13  }
0x33: {  	[tilespmem:s14], [sflag:$0x1] =	stream.linear.gather @!p1 [hbm4b:s13+s15], $0x4000, $0x38;
	[tilespmem:$0x10100] =	vst v63  }
0x34: {  	p1 =	sge.u32 s31, s6  }
.Ltmp2:
0x35: {  	_ = 	snop;
	(pc) =	sbr.rel @p1 .LBB1_5-.Ltmp2, $1  }
0x36: {  	_ =	sdelay $0x3  }
0x37: {  	s13 =	simm.s32 $0x1  }
0x38: {  	_ =	swait.ge [sflag:s4], $0x4000;
	s13 =	simm.s32 @!p0 $0x0  }
0x39: {  	[sflag:s4] =	ssyncset.done $0x0;
	s14 =	sshll.u32 s13, $0xE  }
0x3a: {  	[sflag:s4] =	ssyncadd.s32 $0xFFFFC000;
	s14 =	sor.u32 $0x40, s14  }
0x3b: {  	s13 =	smul.u32 $0x10200, s13;
	v0 =	vld [tilespmem:s14+$0x30]  }
0x3c: {  	v1 =	vld [tilespmem:s14+$0xFFFFFFD0]  }
0x3d: {  	s13 =	sshrl.u32 s13, $0x2;
	v5 =	vld [tilespmem:s14+$0xFFFFFFE0]  }
0x3e: {  	v6 =	vld [tilespmem:s14+$0xFFFFFFF0];
	s15 =	sor.u32 $0x8000, s13  }
0x3f: {  	s31 =	sand.u32 $0x1, s11;
	v3 =	vld [tilespmem:s14+$0x0];
	s16 =	sadd.s32 $0x0, s15  }
0x40: {  	v4 =	vld [tilespmem:s14+$0x10];
	s13 =	smul.u32 $0x10200, s31;
	[tilespmem:s16+$0x3870 ss:$0x81] =	vst.msk $0xffff, v0  }
0x41: {  	v2 =	vld [tilespmem:s14+$0x20];
	[tilespmem:s16+$0x810 ss:$0x81] =	vst.msk $0xffff, v1  }
0x42: {  	s13 =	sshrl.u32 s13, $0x2;
	v0 =	vld [tilespmem:s14+$0xFFFFFFC0];
	[tilespmem:s16+$0x1020 ss:$0x81] =	vst.msk $0xffff, v5;
	s14 =	sadd.s32 $0x80, s14  }
0x43: {  	s17 =	simm.s32 $0x4;
	s18 =	simm.s32 $0x8;
	s13 =	sor.u32 $0x8000, s13;
	[tilespmem:s16+$0x1830 ss:$0x81] =	vst.msk $0xffff, v6;
	v1 =	vld [tilespmem:s14+$0x30]  }
.LBB1_3:
0x44: {  	p1 =	sne.s32 s18, $0x1FC;
	v5 =	vld [tilespmem:s14+$0xFFFFFFD0];
	[tilespmem:s16+$0x2040 ss:$0x81] =	vst.msk $0xffff, v3  }
0x45: {  	v6 =	vld [tilespmem:s14+$0xFFFFFFE0];
	[tilespmem:s16+$0x2850 ss:$0x81] =	vst.msk $0xffff, v4  }
0x46: {  	s19 =	sshra.s32 s17, $0x2;
	s17 =	smov.u32 s18;
	v7 =	vld [tilespmem:s14+$0xFFFFFFF0];
	[tilespmem:s16+$0x3060 ss:$0x81] =	vst.msk $0xffff, v2  }
.Ltmp3:
0x47: {  	v3 =	vld [tilespmem:s14+$0x0];
	[tilespmem:s16+$0x0 ss:$0x81] =	vst.msk $0xffff, v0;
	s16 =	sadd.s32 s19, s15;
	(pc) =	sbr.rel @p1 .LBB1_3-.Ltmp3, $4  }
0x48: {  	v4 =	vld [tilespmem:s14+$0x10];
	[tilespmem:s16+$0x3870 ss:$0x81] =	vst.msk $0xffff, v1  }
0x49: {  	[tilespmem:s16+$0x810 ss:$0x81] =	vst.msk $0xffff, v5;
	v2 =	vld [tilespmem:s14+$0x20]  }
0x4a: {  	v0 =	vld [tilespmem:s14+$0xFFFFFFC0];
	[tilespmem:s16+$0x1020 ss:$0x81] =	vst.msk $0xffff, v6;
	s14 =	sadd.s32 $0x80, s14  }
0x4b: {  	s18 =	sadd.s32 $0x4, s18;
	v1 =	vld [tilespmem:s14+$0x30];
	[tilespmem:s16+$0x1830 ss:$0x81] =	vst.msk $0xffff, v7  }
.Ltmp4:
0x4c: {  	_ = 	snop;
	(pc) =	sbr.rel .LBB1_4-.Ltmp4, $1  }
0x4d: {  	_ =	sdelay $0x3  }
.LBB1_6:
0x4e: {  	_ =	sfence.sel $0x180000  }
0x4f: {  	s2 =	simm.s32 $0x1;
	[bflag:$0x0] =	sbarrier.arrive $0xFFFF  }
0x50: {  	s31 =	simm.s32 $0x2;
	[sflag:s2] =	ssyncpa.u1 $0x1  }
0x51: {  	[sflag:s31] =	ssyncpa.u1 $0x1  }
0x52: {  	p0 =	sne.s32 s0, $0x0;
	_ =	strace $0x90000047  }
0x53: {  	s0 =	sadd.s32 @!p0 $0x100000, s1;
	[bflag:$0x2] =	sbarrier.arrive $0xFFFF  }
0x54: {  	[sflag:s0] =	ssyncadd.tile.s32 @!p0 $0x1;
	_ =	shalt  }
.Lfunc_end1:
_tile_overlayer_lowered:
.L_overlay_start_2:
0x55: {  	(tag) =	ssettag $0x2  }
0x56: {  	s0 =	rddreg [dreg:$0x0];
	s2 =	stileid.u32  }
0x57: {  	s1 =	rddreg [dreg:$0x1];
	p0 =	sne.s32 s2, $0x0  }
0x58: {  	s3 =	rddreg [dreg:$0x2];
	[bflag:$0x3] =	sbarrier.arrive $0xFFFF;
	s2 =	simm.s32 @!p0 $0x1C01  }
0x59: {  	[timem:s3], [sflag:s2] =	dma.local @!p0 [hbm:s0], s1  }
0x5a: {  	s0 =	simm.s32 @!p0 $0x1  }
0x5b: {  	_ =	swait.ge @!p0 [sflag:s0], s1  }
0x5c: {  	s1 =	ssub.s32 @!p0 $0x0, s1;
	[sflag:s0] =	ssyncset.done @!p0 $0x0  }
0x5d: {  	[sflag:s0] =	ssyncadd.s32 @!p0 s1  }
0x5e: {  	[bflag:$0x3] =	sbarrier.arrive $0xFFFF  }
0x5f: {  	_ =	shalt  }

</sc_bundles>
